<compile_context>
chip_gen: v7x
topology: tpu7x:2x2x1
jax: 0.10.2.dev20260603
libtpu: 0.0.44.dev20260713+nightly
codegen_flags: <defaults>
</compile_context>

<pallas_src>
import dataclasses
import functools

import jax
import jax.numpy as jnp
import numpy as np
from jax import lax
from jax.experimental import pallas as pl
from jax.experimental.pallas import tpu as pltpu
from jax.experimental.pallas import tpu_sc as plsc

ANGSTROM2BOHR = 1.8897261258369282
CUTOFF = 5.2 * ANGSTROM2BOHR
LANES = 16
NUM_WORKERS = 32
CHUNK = 3200


def _srb_sc_kernel(n_edges, n_flat_atoms, num_atoms, n_bins):
  grid = n_edges // CHUNK
  mesh = plsc.VectorSubcoreMesh(core_axis_name="c", subcore_axis_name="s")

  cp = pltpu.CompilerParams()
  if "needs_layout_passes" in pltpu.CompilerParams.__dataclass_fields__:
    cp = dataclasses.replace(cp, needs_layout_passes=False)

  @functools.partial(
      pl.kernel,
      out_type=jax.ShapeDtypeStruct((NUM_WORKERS, n_bins), jnp.float32),
      mesh=mesh,
      compiler_params=cp,
      scratch_types=[
          pltpu.VMEM((n_flat_atoms,), jnp.int32),
          pltpu.VMEM((LANES,), jnp.float32),
          pltpu.VMEM((LANES,), jnp.float32),
          pltpu.VMEM((n_bins,), jnp.float32),
      ],
  )
  def kern(sp_hbm, a12_hbm, d_hbm, pref_hbm, dfac_hbm, out_hbm,
           sp_v, pref_v, dfac_v, acc_v):
    pltpu.sync_copy(sp_hbm, sp_v)
    pltpu.sync_copy(pref_hbm, pref_v)
    pltpu.sync_copy(dfac_hbm, dfac_v)

    @pl.loop(0, n_bins, step=LANES)
    def _(i):
      acc_v[pl.ds(i, LANES)] = jnp.zeros((LANES,), jnp.float32)

    inv_cutoff = jnp.float32(ANGSTROM2BOHR / CUTOFF)
    inv_atoms = jnp.float32(
        float(np.nextafter(np.float32(1.0 / num_atoms), np.float32(2.0))))

    def chunk_body(a_v, d_v):
      @plsc.parallel_loop(0, CHUNK, step=LANES, unroll=8)
      def _(c):
        i0 = a_v[0, pl.ds(c, LANES)]
        i1 = a_v[1, pl.ds(c, LANES)]
        dist = d_v[pl.ds(c, LANES)]
        s1 = plsc.load_gather(sp_v, [i0])
        s2 = plsc.load_gather(sp_v, [i1])
        k = s1 * 4 + s2
        pref = plsc.load_gather(pref_v, [k])
        dfac = plsc.load_gather(dfac_v, [k])
        x = dist * inv_cutoff
        x2 = x * x
        inside = x < 1.0
        earg = dfac * dist + (1.0 - 1.0 / (1.0 - x2))
        val = pref * jnp.exp(earg)
        val = jnp.where(inside, val, jnp.float32(0.0))
        mol = (i0.astype(jnp.float32) * inv_atoms).astype(jnp.int32)
        plsc.addupdate_scatter(acc_v, [mol], val)

    pltpu.emit_pipeline(
        chunk_body,
        grid=(grid,),
        in_specs=[
            pl.BlockSpec((2, CHUNK), lambda i: (0, i)),
            pl.BlockSpec((CHUNK,), lambda i: (i,)),
        ],
        out_specs=[],
        core_axis_name=("c", "s"),
        dimension_semantics=(pltpu.PARALLEL,),
    )(a12_hbm, d_hbm)

    wid = lax.axis_index("s") * 2 + lax.axis_index("c")
    pltpu.sync_copy(acc_v, out_hbm.at[wid])

  return kern


def kernel(species, energies, atom_index12, distances, exp_prefactor,
           distances_factor):
  n_mol = energies.shape[0]
  num_atoms = species.shape[1]
  n_edges = distances.shape[0]
  n_bins = -(-n_mol // 128) * 128

  flat_species = species.reshape(-1).astype(jnp.int32)
  a12 = atom_index12.astype(jnp.int32)
  pref16 = exp_prefactor.reshape(-1).astype(jnp.float32)
  dfac16 = (distances_factor.reshape(-1) * ANGSTROM2BOHR).astype(jnp.float32)

  kern = _srb_sc_kernel(n_edges, flat_species.shape[0], num_atoms, n_bins)
  partial = kern(flat_species, a12, distances.astype(jnp.float32),
                 pref16, dfac16)
  energies_out = energies + partial.sum(axis=0)[:n_mol]
  return species, energies_out

# --- scband reference (transcript-rebuilt; emitter-appended) ---
"""Pipeline reference for scband-energy-srb-14680198218405 (READ-ONLY COPY).

The authoritative reference and input builder live on the scoring server;
editing this copy changes nothing except your own understanding.
"""

import jax, jax.numpy as jnp
import numpy as np

ANGSTROM2BOHR = 1.8897261258369282


def smooth_cutoff(d, cutoff):
    # smooth cutoff: exp(1 - 1/(1 - (d/cutoff)^2)) for d < cutoff, else 0
    x = d / cutoff
    inside = x < 1.0
    x2 = jnp.where(inside, x * x, 0.0)
    e = jnp.exp(1.0 - 1.0 / (1.0 - x2))
    return jnp.where(inside, e, 0.0)


def setup_inputs(seed: int = 0) -> dict:
    key = jax.random.key(seed)
    k1, k2, k3 = jax.random.split(key, 3)
    n_mol, n_atoms, E = 1000, 100, 3200000
    species = jax.random.randint(k1, (n_mol, n_atoms), 0, 4)
    energies = jnp.zeros((n_mol,), jnp.float32)
    atom_index12 = jax.random.randint(k2, (2, E), 0, n_mol * n_atoms)
    distances = jax.random.uniform(k3, (E,), jnp.float32)
    # buffers derived from init kwargs (elements = H, C, N, O)
    z = jnp.array([1.0, 6.0, 7.0, 8.0], jnp.float32)
    cov = jnp.array([0.31, 0.76, 0.71, 0.66], jnp.float32)  # covalent radii (Angstrom)
    cutoff_radii = (cov[:, None] + cov[None, :]) * ANGSTROM2BOHR
    distances_factor = (-10.0 / cutoff_radii).astype(jnp.float32)  # -scaling_radius / cutoff_radii
    exp_prefactor = (-0.016 * jnp.sqrt(jnp.outer(z, z)) / 2.0).astype(jnp.float32)
    return {
        "species": species,
        "energies": energies,
        "atom_index12": atom_index12,
        "distances": distances,
        "exp_prefactor": exp_prefactor,
        "distances_factor": distances_factor,
    }


def reference(species, energies, atom_index12, distances, exp_prefactor, distances_factor):
    cutoff = 5.2 * ANGSTROM2BOHR
    d = distances * ANGSTROM2BOHR  # angstrom2bohr
    num_atoms = species.shape[1]
    flat_species = species.reshape(-1)
    s1 = flat_species[atom_index12[0]]
    s2 = flat_species[atom_index12[1]]
    scaled_charge_prefactor = exp_prefactor[s1, s2]
    dfac = distances_factor[s1, s2]
    srb_energies = scaled_charge_prefactor * jnp.exp(dfac * d)
    srb_energies = srb_energies * smooth_cutoff(d, cutoff)
    molecule_indices = atom_index12[0] // num_atoms
    energies_out = energies.at[molecule_indices].add(srb_energies)
    return species, energies_out

if __name__ == "__main__":
    import jax
    _d = setup_inputs()
    print(jax.jit(kernel)(*tuple(_d.values())))

</pallas_src>

<mosaic_0001>
#map = affine_map<(d0, d1) -> (0)>
#map1 = affine_map<(d0, d1) -> (0, 0)>
module attributes {stable_mosaic.version = 14 : i64} {
  func.func @kern(%arg0: i32, %arg1: i32, %arg2: memref<100000xi32, #tpu.memory_space<hbm>>, %arg3: memref<2x3200000xi32, #tpu.memory_space<hbm>>, %arg4: memref<3200000xf32, #tpu.memory_space<hbm>>, %arg5: memref<16xf32, #tpu.memory_space<hbm>>, %arg6: memref<16xf32, #tpu.memory_space<hbm>>, %arg7: memref<32x1024xf32, #tpu.memory_space<hbm>>, %arg8: memref<100000xi32, #tpu.memory_space<vmem>>, %arg9: memref<16xf32, #tpu.memory_space<vmem>>, %arg10: memref<16xf32, #tpu.memory_space<vmem>>, %arg11: memref<1024xf32, #tpu.memory_space<vmem>>) attributes {dimension_semantics = [#tpu.dimension_semantics<core_parallel>, #tpu.dimension_semantics<subcore_parallel>], iteration_bounds = array<i64: 2, 16>, scalar_prefetch = 0 : i64, scratch_operands = 4 : i64, tpu.core_type = #tpu.core_type<sc_vector_subcore>, window_params = [{transform_indices = #map}, {transform_indices = #map1}, {transform_indices = #map}, {transform_indices = #map}, {transform_indices = #map}, {transform_indices = #map1}]} {
    "tpu.region"() ({
      %run_scoped3A_25 = tpu.sem_alloc : memref<!tpu.dma_semaphore, #tpu.memory_space<semaphore_mem>>
      tpu.enqueue_dma source(%arg2 : memref<100000xi32, #tpu.memory_space<hbm>>) target(%arg8 : memref<100000xi32, #tpu.memory_space<vmem>>) target_semaphore(%run_scoped3A_25 : memref<!tpu.dma_semaphore, #tpu.memory_space<semaphore_mem>>)
      tpu.wait_dma2 semaphore(%run_scoped3A_25 : memref<!tpu.dma_semaphore, #tpu.memory_space<semaphore_mem>>) src(%arg2 : memref<100000xi32, #tpu.memory_space<hbm>>) dst(%arg8 : memref<100000xi32, #tpu.memory_space<vmem>>)
      tpu.yield
    }) : () -> ()
    "tpu.region"() ({
      %run_scoped3A_25 = tpu.sem_alloc : memref<!tpu.dma_semaphore, #tpu.memory_space<semaphore_mem>>
      tpu.enqueue_dma source(%arg5 : memref<16xf32, #tpu.memory_space<hbm>>) target(%arg9 : memref<16xf32, #tpu.memory_space<vmem>>) target_semaphore(%run_scoped3A_25 : memref<!tpu.dma_semaphore, #tpu.memory_space<semaphore_mem>>)
      tpu.wait_dma2 semaphore(%run_scoped3A_25 : memref<!tpu.dma_semaphore, #tpu.memory_space<semaphore_mem>>) src(%arg5 : memref<16xf32, #tpu.memory_space<hbm>>) dst(%arg9 : memref<16xf32, #tpu.memory_space<vmem>>)
      tpu.yield
    }) : () -> ()
    "tpu.region"() ({
      %run_scoped3A_25 = tpu.sem_alloc : memref<!tpu.dma_semaphore, #tpu.memory_space<semaphore_mem>>
      tpu.enqueue_dma source(%arg6 : memref<16xf32, #tpu.memory_space<hbm>>) target(%arg10 : memref<16xf32, #tpu.memory_space<vmem>>) target_semaphore(%run_scoped3A_25 : memref<!tpu.dma_semaphore, #tpu.memory_space<semaphore_mem>>)
      tpu.wait_dma2 semaphore(%run_scoped3A_25 : memref<!tpu.dma_semaphore, #tpu.memory_space<semaphore_mem>>) src(%arg6 : memref<16xf32, #tpu.memory_space<hbm>>) dst(%arg10 : memref<16xf32, #tpu.memory_space<vmem>>)
      tpu.yield
    }) : () -> ()
    %scan3A = arith.constant 0 : i32
    %scan3A_0 = arith.constant 64 : i32
    %scan3A_1 = arith.addi %scan3A, %scan3A_0 : i32
    %scan3A_2 = arith.constant 1 : i32
    scf.for %scan3A_25 = %scan3A to %scan3A_1 step %scan3A_2  : i32 {
      %mul3A_26 = arith.constant 16 : i32
      %mul3A_27 = arith.muli %scan3A_25, %mul3A_26 : i32
      %add3A_28 = arith.constant 0 : i32
      %add3A_29 = arith.addi %add3A_28, %mul3A_27 : i32
      %broadcast_in_dim3A = arith.constant 0.000000e+00 : f32
      %broadcast_in_dim3A_30 = vector.broadcast %broadcast_in_dim3A : f32 to vector<16xf32>
      %swap3A = arith.index_cast %add3A_29 : i32 to index
      %swap3A_31 = tpu.vector_load %arg11[%swap3A] {strides = array<i32>} : memref<1024xf32, #tpu.memory_space<vmem>>, vector<16xf32>,
      tpu.vector_store %arg11[%swap3A], %broadcast_in_dim3A_30 {strides = array<i32>} : memref<1024xf32, #tpu.memory_space<vmem>>, vector<16xf32>,
    }
    %scan3A_3 = arith.constant 64 : i32
    %mul3A = arith.constant 1 : i32
    %mul3A_4 = arith.muli %arg1, %mul3A : i32
    %add3A = arith.constant 0 : i32
    %add3A_5 = arith.addi %add3A, %mul3A_4 : i32
    %mul3A_6 = arith.constant 16 : i32
    %mul3A_7 = arith.muli %arg0, %mul3A_6 : i32
    %add3A_8 = arith.addi %add3A_5, %mul3A_7 : i32
    %lt3A = arith.constant 8 : i32
    %lt3A_9 = arith.cmpi slt, %add3A_8, %lt3A : i32
    %jit3A = arith.constant 32 : i32
    %jit3A_10 = arith.constant 31 : i32
    %select_n3A = arith.select %lt3A_9, %jit3A, %jit3A_10 : i32
    %lt3A_11 = arith.constant 8 : i32
    %lt3A_12 = arith.cmpi slt, %add3A_8, %lt3A_11 : i32
    %mul3A_13 = arith.muli %add3A_8, %select_n3A : i32
    %mul3A_14 = arith.constant 31 : i32
    %mul3A_15 = arith.muli %add3A_8, %mul3A_14 : i32
    %add3A_16 = arith.constant 8 : i32
    %add3A_17 = arith.addi %mul3A_15, %add3A_16 : i32
    %select_n3A_18 = arith.select %lt3A_12, %mul3A_13, %add3A_17 : i32
    %mul3A_19 = arith.constant 1 : i32
    %mul3A_20 = arith.muli %mul3A_19, %select_n3A : i32
    %run_scoped3A = arith.constant 0.192307696 : f32
    %run_scoped3A_21 = arith.constant 0.0100000007 : f32
    "tpu.region"() ({
      %run_scoped3A_25 = memref.alloca() : memref<2x2x3200xi32, #tpu.memory_space<vmem>>
      %run_scoped3A_26 = tpu.sem_alloc : memref<2x!tpu.dma_semaphore, #tpu.memory_space<semaphore_mem>>
      %run_scoped3A_27 = memref.alloca() : memref<6400xf32, #tpu.memory_space<vmem>>
      %run_scoped3A_28 = tpu.sem_alloc : memref<2x!tpu.dma_semaphore, #tpu.memory_space<semaphore_mem>>
      %gt3A = arith.constant 0 : i32
      %gt3A_29 = arith.cmpi sgt, %mul3A_20, %gt3A : i32
      %convert_element_type3A = arith.extui %gt3A_29 : i1 to i32
      %cond3A = arith.constant 0 : i32
      %cond3A_30 = arith.cmpi ne, %convert_element_type3A, %cond3A : i32
      scf.if %cond3A_30 {
        %mul3A_31 = arith.constant 1 : i32
        %mul3A_32 = arith.muli %mul3A_31, %select_n3A : i32
        %sub3A = arith.constant 1 : i32
        %sub3A_33 = arith.subi %mul3A_32, %sub3A : i32
        %eq3A = arith.constant 0 : i32
        %eq3A_34 = arith.cmpi eq, %sub3A_33, %eq3A : i32
        %add3A_35 = arith.constant 0 : i32
        %add3A_36 = arith.addi %add3A_35, %select_n3A_18 : i32
        %select_n3A_37 = arith.constant true
        %select_n3A_38 = arith.constant 0 : i32
        %select_n3A_39 = arith.constant -1 : i32
        %select_n3A_40 = arith.select %select_n3A_37, %select_n3A_39, %select_n3A_38 : i32
        %eq3A_41 = arith.constant -1 : i32
        %eq3A_42 = arith.cmpi eq, %select_n3A_40, %eq3A_41 : i32
        %sub3A_43 = arith.constant 1 : i32
        %sub3A_44 = arith.subi %select_n3A, %sub3A_43 : i32
        %select_n3A_45 = arith.select %eq3A_42, %sub3A_44, %select_n3A_40 : i32
        %add3A_46 = arith.addi %select_n3A_45, %select_n3A_18 : i32
        %select_n3A_47 = arith.constant true
        %select_n3A_48 = arith.constant 0 : i32
        %select_n3A_49 = arith.constant 1 : i32
        %select_n3A_50 = arith.select %select_n3A_47, %select_n3A_49, %select_n3A_48 : i32
        %eq3A_51 = arith.cmpi eq, %select_n3A_50, %select_n3A : i32
        %select_n3A_52 = arith.constant 0 : i32
        %select_n3A_53 = arith.select %eq3A_51, %select_n3A_52, %select_n3A_50 : i32
        %add3A_54 = arith.addi %select_n3A_53, %select_n3A_18 : i32
        %add3A_55 = arith.constant 1 : i32
        %add3A_56 = arith.addi %select_n3A_53, %add3A_55 : i32
        %select_n3A_57 = arith.constant true
        %select_n3A_58 = arith.select %select_n3A_57, %add3A_56, %select_n3A_53 : i32
        %eq3A_59 = arith.cmpi eq, %select_n3A_58, %select_n3A : i32
        %select_n3A_60 = arith.constant 0 : i32
        %select_n3A_61 = arith.select %eq3A_59, %select_n3A_60, %select_n3A_58 : i32
        %add3A_62 = arith.addi %select_n3A_61, %select_n3A_18 : i32
        "tpu.trace_start"() <{level = 10 : i32, message = "ep_initialize_0"}> : () -> ()
        %rem3A = arith.constant 0 : i32
        %rem3A_63 = arith.constant 2 : i32
        %rem3A_64 = arith.remui %rem3A, %rem3A_63 : i32
        %mul3A_65 = arith.constant 3200 : i32
        %mul3A_66 = arith.muli %mul3A_65, %add3A_36 : i32
        %dma_start3A = arith.constant 0 : i32
        %dma_start3A_67 = arith.constant 0 : i32
        %dma_start3A_68 = tpu.memref_slice %run_scoped3A_25[%rem3A_64, %dma_start3A, %dma_start3A_67] : memref<2x2x3200xi32, #tpu.memory_space<vmem>> -> memref<1x2x3200xi32, #tpu.memory_space<vmem>>
        %dma_start3A_69 = tpu.memref_squeeze %dma_start3A_68 : memref<1x2x3200xi32, #tpu.memory_space<vmem>> -> memref<2x3200xi32, #tpu.memory_space<vmem>>
        %dma_start3A_70 = arith.constant 0 : i32
        %dma_start3A_71 = tpu.memref_slice %arg3[%dma_start3A_70, %mul3A_66] : memref<2x3200000xi32, #tpu.memory_space<hbm>> -> memref<2x3200xi32, #tpu.memory_space<hbm>>
        %dma_start3A_72 = tpu.memref_slice %run_scoped3A_26[%rem3A_64] : memref<2x!tpu.dma_semaphore, #tpu.memory_space<semaphore_mem>> -> memref<1x!tpu.dma_semaphore, #tpu.memory_space<semaphore_mem>>
        %dma_start3A_73 = tpu.memref_squeeze %dma_start3A_72 : memref<1x!tpu.dma_semaphore, #tpu.memory_space<semaphore_mem>> -> memref<!tpu.dma_semaphore, #tpu.memory_space<semaphore_mem>>
        %dma_start3A_74 = arith.constant 0 : i32
        %dma_start3A_75 = arith.constant 0 : i32
        %dma_start3A_76 = tpu.memref_slice %run_scoped3A_25[%rem3A_64, %dma_start3A_74, %dma_start3A_75] : memref<2x2x3200xi32, #tpu.memory_space<vmem>> -> memref<1x2x3200xi32, #tpu.memory_space<vmem>>
        %dma_start3A_77 = tpu.memref_squeeze %dma_start3A_76 : memref<1x2x3200xi32, #tpu.memory_space<vmem>> -> memref<2x3200xi32, #tpu.memory_space<vmem>>
        %dma_start3A_78 = arith.constant 0 : i32
        %dma_start3A_79 = tpu.memref_slice %arg3[%dma_start3A_78, %mul3A_66] : memref<2x3200000xi32, #tpu.memory_space<hbm>> -> memref<2x3200xi32, #tpu.memory_space<hbm>>
        tpu.enqueue_dma source(%dma_start3A_79 : memref<2x3200xi32, #tpu.memory_space<hbm>>) target(%dma_start3A_77 : memref<2x3200xi32, #tpu.memory_space<vmem>>) target_semaphore(%dma_start3A_73 : memref<!tpu.dma_semaphore, #tpu.memory_space<semaphore_mem>>)
        %add3A_80 = arith.constant 0 : i32
        %add3A_81 = arith.constant 1 : i32
        %add3A_82 = arith.addi %add3A_80, %add3A_81 : i32
        %select_n3A_83 = arith.constant true
        %select_n3A_84 = arith.constant 0 : i32
        %select_n3A_85 = arith.select %select_n3A_83, %add3A_82, %select_n3A_84 : i32
        %rem3A_86 = arith.constant 0 : i32
        %rem3A_87 = arith.constant 2 : i32
        %rem3A_88 = arith.remui %rem3A_86, %rem3A_87 : i32
        %mul3A_89 = arith.constant 3200 : i32
        %mul3A_90 = arith.muli %mul3A_89, %add3A_36 : i32
        %mul3A_91 = arith.constant 3200 : i32
        %mul3A_92 = arith.muli %rem3A_88, %mul3A_91 : i32
        %add3A_93 = arith.constant 0 : i32
        %add3A_94 = arith.addi %mul3A_92, %add3A_93 : i32
        %dma_start3A_95 = tpu.memref_slice %run_scoped3A_27[%add3A_94] : memref<6400xf32, #tpu.memory_space<vmem>> -> memref<3200xf32, #tpu.memory_space<vmem>>
        %dma_start3A_96 = tpu.memref_slice %arg4[%mul3A_90] : memref<3200000xf32, #tpu.memory_space<hbm>> -> memref<3200xf32, #tpu.memory_space<hbm>>
        %dma_start3A_97 = tpu.memref_slice %run_scoped3A_28[%rem3A_88] : memref<2x!tpu.dma_semaphore, #tpu.memory_space<semaphore_mem>> -> memref<1x!tpu.dma_semaphore, #tpu.memory_space<semaphore_mem>>
        %dma_start3A_98 = tpu.memref_squeeze %dma_start3A_97 : memref<1x!tpu.dma_semaphore, #tpu.memory_space<semaphore_mem>> -> memref<!tpu.dma_semaphore, #tpu.memory_space<semaphore_mem>>
        %dma_start3A_99 = tpu.memref_slice %run_scoped3A_27[%add3A_94] : memref<6400xf32, #tpu.memory_space<vmem>> -> memref<3200xf32, #tpu.memory_space<vmem>>
        %dma_start3A_100 = tpu.memref_slice %arg4[%mul3A_90] : memref<3200000xf32, #tpu.memory_space<hbm>> -> memref<3200xf32, #tpu.memory_space<hbm>>
        tpu.enqueue_dma source(%dma_start3A_100 : memref<3200xf32, #tpu.memory_space<hbm>>) target(%dma_start3A_99 : memref<3200xf32, #tpu.memory_space<vmem>>) target_semaphore(%dma_start3A_98 : memref<!tpu.dma_semaphore, #tpu.memory_space<semaphore_mem>>)
        %add3A_101 = arith.constant 0 : i32
        %add3A_102 = arith.constant 1 : i32
        %add3A_103 = arith.addi %add3A_101, %add3A_102 : i32
        %select_n3A_104 = arith.constant true
        %select_n3A_105 = arith.constant 0 : i32
        %select_n3A_106 = arith.select %select_n3A_104, %add3A_103, %select_n3A_105 : i32
        %while3A = arith.constant 0 : i32
        %while3A_107 = arith.constant 0 : i32
        %while3A_108 = arith.constant 0 : i32
        %while3A_109 = arith.constant 0 : i32
        "tpu.trace_stop"() : () -> ()
        %while3A_110 = arith.subi %mul3A_20, %while3A : i32
        %while3A_111 = arith.addi %while3A, %while3A_110 : i32
        %while3A_112 = arith.constant 1 : i32
        %while3A_113 = arith.divsi %while3A_110, %while3A_112 : i32
        %while3A_114 = arith.muli %while3A_113, %while3A_112 : i32
        %while3A_115 = arith.addi %while3A, %while3A_114 : i32
        %while3A_116 = arith.constant 1 : i32
        %while3A_117:5 = scf.for %while3A_171 = %while3A to %while3A_115 step %while3A_116 iter_args(%while3A_172 = %select_n3A_85, %while3A_173 = %while3A_107, %while3A_174 = %select_n3A_106, %while3A_175 = %while3A_108, %while3A_176 = %while3A_109) -> (i32, i32, i32, i32, i32)  : i32 {
          %mul3A_177 = arith.constant 1 : i32
          %mul3A_178 = arith.muli %mul3A_177, %select_n3A : i32
          %eq3A_179 = arith.constant 0 : i32
          %eq3A_180 = arith.cmpi eq, %while3A_171, %eq3A_179 : i32
          %sub3A_181 = arith.constant 1 : i32
          %sub3A_182 = arith.subi %mul3A_178, %sub3A_181 : i32
          %eq3A_183 = arith.cmpi eq, %while3A_171, %sub3A_182 : i32
          %add3A_184 = arith.addi %while3A_176, %select_n3A_18 : i32
          %sub3A_185 = arith.constant 1 : i32
          %sub3A_186 = arith.subi %while3A_176, %sub3A_185 : i32
          %select_n3A_187 = arith.constant true
          %select_n3A_188 = arith.select %select_n3A_187, %sub3A_186, %while3A_176 : i32
          %eq3A_189 = arith.constant -1 : i32
          %eq3A_190 = arith.cmpi eq, %select_n3A_188, %eq3A_189 : i32
          %sub3A_191 = arith.constant 1 : i32
          %sub3A_192 = arith.subi %select_n3A, %sub3A_191 : i32
          %select_n3A_193 = arith.select %eq3A_190, %sub3A_192, %select_n3A_188 : i32
          %add3A_194 = arith.addi %select_n3A_193, %select_n3A_18 : i32
          %add3A_195 = arith.constant 1 : i32
          %add3A_196 = arith.addi %while3A_176, %add3A_195 : i32
          %select_n3A_197 = arith.constant true
          %select_n3A_198 = arith.select %select_n3A_197, %add3A_196, %while3A_176 : i32
          %eq3A_199 = arith.cmpi eq, %select_n3A_198, %select_n3A : i32
          %select_n3A_200 = arith.constant 0 : i32
          %select_n3A_201 = arith.select %eq3A_199, %select_n3A_200, %select_n3A_198 : i32
          %add3A_202 = arith.addi %select_n3A_201, %select_n3A_18 : i32
          %add3A_203 = arith.constant 1 : i32
          %add3A_204 = arith.addi %select_n3A_201, %add3A_203 : i32
          %select_n3A_205 = arith.constant true
          %select_n3A_206 = arith.select %select_n3A_205, %add3A_204, %select_n3A_201 : i32
          %eq3A_207 = arith.cmpi eq, %select_n3A_206, %select_n3A : i32
          %select_n3A_208 = arith.constant 0 : i32
          %select_n3A_209 = arith.select %eq3A_207, %select_n3A_208, %select_n3A_206 : i32
          %add3A_210 = arith.addi %select_n3A_209, %select_n3A_18 : i32
          %ne3A = arith.cmpi ne, %add3A_184, %add3A_202 : i32
          %or3A = arith.constant false
          %or3A_211 = arith.ori %or3A, %ne3A : i1
          %sub3A_212 = arith.constant 2 : i32
          %sub3A_213 = arith.subi %mul3A_178, %sub3A_212 : i32
          %add3A_214 = arith.constant 1 : i32
          %add3A_215 = arith.addi %sub3A_213, %add3A_214 : i32
          %ge3A = arith.cmpi sge, %while3A_171, %add3A_215 : i32
          %not3A = arith.constant true
          %not3A_216 = arith.xori %ge3A, %not3A : i1
          %and3A = arith.andi %or3A_211, %not3A_216 : i1
          %convert_element_type3A_217 = arith.extui %and3A : i1 to i32
          %cond3A_218 = arith.constant 0 : i32
          %cond3A_219 = arith.cmpi ne, %convert_element_type3A_217, %cond3A_218 : i32
          scf.if %cond3A_219 {
            "tpu.trace_start"() <{level = 10 : i32, message = "ep_copy_in"}> : () -> ()
            %rem3A_327 = arith.constant 2 : i32
            %rem3A_328 = arith.remui %while3A_172, %rem3A_327 : i32
            %mul3A_329 = arith.constant 3200 : i32
            %mul3A_330 = arith.muli %mul3A_329, %add3A_202 : i32
            %dma_start3A_331 = arith.constant 0 : i32
            %dma_start3A_332 = arith.constant 0 : i32
            %dma_start3A_333 = tpu.memref_slice %run_scoped3A_25[%rem3A_328, %dma_start3A_331, %dma_start3A_332] : memref<2x2x3200xi32, #tpu.memory_space<vmem>> -> memref<1x2x3200xi32, #tpu.memory_space<vmem>>
            %dma_start3A_334 = tpu.memref_squeeze %dma_start3A_333 : memref<1x2x3200xi32, #tpu.memory_space<vmem>> -> memref<2x3200xi32, #tpu.memory_space<vmem>>
            %dma_start3A_335 = arith.constant 0 : i32
            %dma_start3A_336 = tpu.memref_slice %arg3[%dma_start3A_335, %mul3A_330] : memref<2x3200000xi32, #tpu.memory_space<hbm>> -> memref<2x3200xi32, #tpu.memory_space<hbm>>
            %dma_start3A_337 = tpu.memref_slice %run_scoped3A_26[%rem3A_328] : memref<2x!tpu.dma_semaphore, #tpu.memory_space<semaphore_mem>> -> memref<1x!tpu.dma_semaphore, #tpu.memory_space<semaphore_mem>>
            %dma_start3A_338 = tpu.memref_squeeze %dma_start3A_337 : memref<1x!tpu.dma_semaphore, #tpu.memory_space<semaphore_mem>> -> memref<!tpu.dma_semaphore, #tpu.memory_space<semaphore_mem>>
            %dma_start3A_339 = arith.constant 0 : i32
            %dma_start3A_340 = arith.constant 0 : i32
            %dma_start3A_341 = tpu.memref_slice %run_scoped3A_25[%rem3A_328, %dma_start3A_339, %dma_start3A_340] : memref<2x2x3200xi32, #tpu.memory_space<vmem>> -> memref<1x2x3200xi32, #tpu.memory_space<vmem>>
            %dma_start3A_342 = tpu.memref_squeeze %dma_start3A_341 : memref<1x2x3200xi32, #tpu.memory_space<vmem>> -> memref<2x3200xi32, #tpu.memory_space<vmem>>
            %dma_start3A_343 = arith.constant 0 : i32
            %dma_start3A_344 = tpu.memref_slice %arg3[%dma_start3A_343, %mul3A_330] : memref<2x3200000xi32, #tpu.memory_space<hbm>> -> memref<2x3200xi32, #tpu.memory_space<hbm>>
            tpu.enqueue_dma source(%dma_start3A_344 : memref<2x3200xi32, #tpu.memory_space<hbm>>) target(%dma_start3A_342 : memref<2x3200xi32, #tpu.memory_space<vmem>>) target_semaphore(%dma_start3A_338 : memref<!tpu.dma_semaphore, #tpu.memory_space<semaphore_mem>>)
            "tpu.trace_stop"() : () -> ()
          } else {
          }
          %and3A_220 = arith.constant true
          %and3A_221 = arith.andi %and3A, %and3A_220 : i1
          %add3A_222 = arith.constant 1 : i32
          %add3A_223 = arith.addi %while3A_172, %add3A_222 : i32
          %select_n3A_224 = arith.select %and3A_221, %add3A_223, %while3A_172 : i32
          %ne3A_225 = arith.cmpi ne, %add3A_184, %add3A_202 : i32
          %or3A_226 = arith.constant false
          %or3A_227 = arith.ori %or3A_226, %ne3A_225 : i1
          %sub3A_228 = arith.constant 2 : i32
          %sub3A_229 = arith.subi %mul3A_178, %sub3A_228 : i32
          %add3A_230 = arith.constant 1 : i32
          %add3A_231 = arith.addi %sub3A_229, %add3A_230 : i32
          %ge3A_232 = arith.cmpi sge, %while3A_171, %add3A_231 : i32
          %not3A_233 = arith.constant true
          %not3A_234 = arith.xori %ge3A_232, %not3A_233 : i1
          %and3A_235 = arith.andi %or3A_227, %not3A_234 : i1
          %convert_element_type3A_236 = arith.extui %and3A_235 : i1 to i32
          %cond3A_237 = arith.constant 0 : i32
          %cond3A_238 = arith.cmpi ne, %convert_element_type3A_236, %cond3A_237 : i32
          scf.if %cond3A_238 {
            "tpu.trace_start"() <{level = 10 : i32, message = "ep_copy_in"}> : () -> ()
            %rem3A_327 = arith.constant 2 : i32
            %rem3A_328 = arith.remui %while3A_174, %rem3A_327 : i32
            %mul3A_329 = arith.constant 3200 : i32
            %mul3A_330 = arith.muli %mul3A_329, %add3A_202 : i32
            %mul3A_331 = arith.constant 3200 : i32
            %mul3A_332 = arith.muli %rem3A_328, %mul3A_331 : i32
            %add3A_333 = arith.constant 0 : i32
            %add3A_334 = arith.addi %mul3A_332, %add3A_333 : i32
            %dma_start3A_335 = tpu.memref_slice %run_scoped3A_27[%add3A_334] : memref<6400xf32, #tpu.memory_space<vmem>> -> memref<3200xf32, #tpu.memory_space<vmem>>
            %dma_start3A_336 = tpu.memref_slice %arg4[%mul3A_330] : memref<3200000xf32, #tpu.memory_space<hbm>> -> memref<3200xf32, #tpu.memory_space<hbm>>
            %dma_start3A_337 = tpu.memref_slice %run_scoped3A_28[%rem3A_328] : memref<2x!tpu.dma_semaphore, #tpu.memory_space<semaphore_mem>> -> memref<1x!tpu.dma_semaphore, #tpu.memory_space<semaphore_mem>>
            %dma_start3A_338 = tpu.memref_squeeze %dma_start3A_337 : memref<1x!tpu.dma_semaphore, #tpu.memory_space<semaphore_mem>> -> memref<!tpu.dma_semaphore, #tpu.memory_space<semaphore_mem>>
            %dma_start3A_339 = tpu.memref_slice %run_scoped3A_27[%add3A_334] : memref<6400xf32, #tpu.memory_space<vmem>> -> memref<3200xf32, #tpu.memory_space<vmem>>
            %dma_start3A_340 = tpu.memref_slice %arg4[%mul3A_330] : memref<3200000xf32, #tpu.memory_space<hbm>> -> memref<3200xf32, #tpu.memory_space<hbm>>
            tpu.enqueue_dma source(%dma_start3A_340 : memref<3200xf32, #tpu.memory_space<hbm>>) target(%dma_start3A_339 : memref<3200xf32, #tpu.memory_space<vmem>>) target_semaphore(%dma_start3A_338 : memref<!tpu.dma_semaphore, #tpu.memory_space<semaphore_mem>>)
            "tpu.trace_stop"() : () -> ()
          } else {
          }
          %and3A_239 = arith.constant true
          %and3A_240 = arith.andi %and3A_235, %and3A_239 : i1
          %add3A_241 = arith.constant 1 : i32
          %add3A_242 = arith.addi %while3A_174, %add3A_241 : i32
          %select_n3A_243 = arith.select %and3A_240, %add3A_242, %while3A_174 : i32
          %ne3A_244 = arith.cmpi ne, %add3A_184, %add3A_194 : i32
          %or3A_245 = arith.constant false
          %or3A_246 = arith.ori %or3A_245, %ne3A_244 : i1
          %or3A_247 = arith.ori %or3A_246, %eq3A_180 : i1
          %convert_element_type3A_248 = arith.extui %or3A_247 : i1 to i32
          %cond3A_249 = arith.constant 0 : i32
          %cond3A_250 = arith.cmpi ne, %convert_element_type3A_248, %cond3A_249 : i32
          scf.if %cond3A_250 {
            "tpu.trace_start"() <{level = 10 : i32, message = "ep_wait_in"}> : () -> ()
            %mul3A_327 = arith.constant 3200 : i32
            %mul3A_328 = arith.muli %mul3A_327, %add3A_184 : i32
            %rem3A_329 = arith.constant 2 : i32
            %rem3A_330 = arith.remui %while3A_173, %rem3A_329 : i32
            %dma_wait3A = arith.constant 0 : i32
            %dma_wait3A_331 = arith.constant 0 : i32
            %dma_wait3A_332 = tpu.memref_slice %run_scoped3A_25[%rem3A_330, %dma_wait3A, %dma_wait3A_331] : memref<2x2x3200xi32, #tpu.memory_space<vmem>> -> memref<1x2x3200xi32, #tpu.memory_space<vmem>>
            %dma_wait3A_333 = tpu.memref_squeeze %dma_wait3A_332 : memref<1x2x3200xi32, #tpu.memory_space<vmem>> -> memref<2x3200xi32, #tpu.memory_space<vmem>>
            %dma_wait3A_334 = arith.constant 0 : i32
            %dma_wait3A_335 = tpu.memref_slice %arg3[%dma_wait3A_334, %mul3A_328] : memref<2x3200000xi32, #tpu.memory_space<hbm>> -> memref<2x3200xi32, #tpu.memory_space<hbm>>
            %dma_wait3A_336 = tpu.memref_slice %run_scoped3A_26[%rem3A_330] : memref<2x!tpu.dma_semaphore, #tpu.memory_space<semaphore_mem>> -> memref<1x!tpu.dma_semaphore, #tpu.memory_space<semaphore_mem>>
            %dma_wait3A_337 = tpu.memref_squeeze %dma_wait3A_336 : memref<1x!tpu.dma_semaphore, #tpu.memory_space<semaphore_mem>> -> memref<!tpu.dma_semaphore, #tpu.memory_space<semaphore_mem>>
            %dma_wait3A_338 = arith.constant 0 : i32
            %dma_wait3A_339 = arith.constant 0 : i32
            %dma_wait3A_340 = tpu.memref_slice %run_scoped3A_25[%rem3A_330, %dma_wait3A_338, %dma_wait3A_339] : memref<2x2x3200xi32, #tpu.memory_space<vmem>> -> memref<1x2x3200xi32, #tpu.memory_space<vmem>>
            %dma_wait3A_341 = tpu.memref_squeeze %dma_wait3A_340 : memref<1x2x3200xi32, #tpu.memory_space<vmem>> -> memref<2x3200xi32, #tpu.memory_space<vmem>>
            %dma_wait3A_342 = arith.constant 0 : i32
            %dma_wait3A_343 = tpu.memref_slice %arg3[%dma_wait3A_342, %mul3A_328] : memref<2x3200000xi32, #tpu.memory_space<hbm>> -> memref<2x3200xi32, #tpu.memory_space<hbm>>
            tpu.wait_dma2 semaphore(%dma_wait3A_337 : memref<!tpu.dma_semaphore, #tpu.memory_space<semaphore_mem>>) src(%dma_wait3A_343 : memref<2x3200xi32, #tpu.memory_space<hbm>>) dst(%dma_wait3A_341 : memref<2x3200xi32, #tpu.memory_space<vmem>>)
            "tpu.trace_stop"() : () -> ()
          } else {
          }
          %ne3A_251 = arith.cmpi ne, %add3A_184, %add3A_194 : i32
          %or3A_252 = arith.constant false
          %or3A_253 = arith.ori %or3A_252, %ne3A_251 : i1
          %or3A_254 = arith.ori %or3A_253, %eq3A_180 : i1
          %convert_element_type3A_255 = arith.extui %or3A_254 : i1 to i32
          %cond3A_256 = arith.constant 0 : i32
          %cond3A_257 = arith.cmpi ne, %convert_element_type3A_255, %cond3A_256 : i32
          scf.if %cond3A_257 {
            "tpu.trace_start"() <{level = 10 : i32, message = "ep_wait_in"}> : () -> ()
            %mul3A_327 = arith.constant 3200 : i32
            %mul3A_328 = arith.muli %mul3A_327, %add3A_184 : i32
            %rem3A_329 = arith.constant 2 : i32
            %rem3A_330 = arith.remui %while3A_175, %rem3A_329 : i32
            %mul3A_331 = arith.constant 3200 : i32
            %mul3A_332 = arith.muli %rem3A_330, %mul3A_331 : i32
            %add3A_333 = arith.constant 0 : i32
            %add3A_334 = arith.addi %mul3A_332, %add3A_333 : i32
            %dma_wait3A = tpu.memref_slice %run_scoped3A_27[%add3A_334] : memref<6400xf32, #tpu.memory_space<vmem>> -> memref<3200xf32, #tpu.memory_space<vmem>>
            %dma_wait3A_335 = tpu.memref_slice %arg4[%mul3A_328] : memref<3200000xf32, #tpu.memory_space<hbm>> -> memref<3200xf32, #tpu.memory_space<hbm>>
            %dma_wait3A_336 = tpu.memref_slice %run_scoped3A_28[%rem3A_330] : memref<2x!tpu.dma_semaphore, #tpu.memory_space<semaphore_mem>> -> memref<1x!tpu.dma_semaphore, #tpu.memory_space<semaphore_mem>>
            %dma_wait3A_337 = tpu.memref_squeeze %dma_wait3A_336 : memref<1x!tpu.dma_semaphore, #tpu.memory_space<semaphore_mem>> -> memref<!tpu.dma_semaphore, #tpu.memory_space<semaphore_mem>>
            %dma_wait3A_338 = tpu.memref_slice %run_scoped3A_27[%add3A_334] : memref<6400xf32, #tpu.memory_space<vmem>> -> memref<3200xf32, #tpu.memory_space<vmem>>
            %dma_wait3A_339 = tpu.memref_slice %arg4[%mul3A_328] : memref<3200000xf32, #tpu.memory_space<hbm>> -> memref<3200xf32, #tpu.memory_space<hbm>>
            tpu.wait_dma2 semaphore(%dma_wait3A_337 : memref<!tpu.dma_semaphore, #tpu.memory_space<semaphore_mem>>) src(%dma_wait3A_339 : memref<3200xf32, #tpu.memory_space<hbm>>) dst(%dma_wait3A_338 : memref<3200xf32, #tpu.memory_space<vmem>>)
            "tpu.trace_stop"() : () -> ()
          } else {
          }
          %rem3A_258 = arith.constant 2 : i32
          %rem3A_259 = arith.remui %while3A_173, %rem3A_258 : i32
          %rem3A_260 = arith.constant 2 : i32
          %rem3A_261 = arith.remui %while3A_175, %rem3A_260 : i32
          %mul3A_262 = arith.constant 3200 : i32
          %mul3A_263 = arith.muli %rem3A_261, %mul3A_262 : i32
          %parallel_loop3A = arith.constant 0 : i32
          %parallel_loop3A_264 = arith.constant 3200 : i32
          %parallel_loop3A_265 = arith.constant 16 : i32
          "tpu.trace_start"() <{level = 10 : i32, message = "ep_run_kernel"}> : () -> ()
          scf.for %parallel_loop3A_327 = %parallel_loop3A to %parallel_loop3A_264 step %parallel_loop3A_265  : i32 {
            %parallel_loop3A_328 = arith.constant 0 : i32
            %parallel_loop3A_329 = arith.constant 0 : i32
            %parallel_loop3A_330 = arith.constant 0 : i32
            %parallel_loop3A_331 = tpu.memref_slice %run_scoped3A_25[%rem3A_259, %parallel_loop3A_329, %parallel_loop3A_330] : memref<2x2x3200xi32, #tpu.memory_space<vmem>> -> memref<1x2x3200xi32, #tpu.memory_space<vmem>>
            %parallel_loop3A_332 = tpu.memref_squeeze %parallel_loop3A_331 : memref<1x2x3200xi32, #tpu.memory_space<vmem>> -> memref<2x3200xi32, #tpu.memory_space<vmem>>
            %parallel_loop3A_333 = arith.index_cast %parallel_loop3A_328 : i32 to index
            %parallel_loop3A_334 = arith.index_cast %parallel_loop3A_327 : i32 to index
            %parallel_loop3A_335 = tpu.vector_load %parallel_loop3A_332[%parallel_loop3A_333, %parallel_loop3A_334] {strides = array<i32>} : memref<2x3200xi32, #tpu.memory_space<vmem>>, vector<16xi32>,
            %parallel_loop3A_336 = arith.constant 1 : i32
            %parallel_loop3A_337 = arith.constant 0 : i32
            %parallel_loop3A_338 = arith.constant 0 : i32
            %parallel_loop3A_339 = tpu.memref_slice %run_scoped3A_25[%rem3A_259, %parallel_loop3A_337, %parallel_loop3A_338] : memref<2x2x3200xi32, #tpu.memory_space<vmem>> -> memref<1x2x3200xi32, #tpu.memory_space<vmem>>
            %parallel_loop3A_340 = tpu.memref_squeeze %parallel_loop3A_339 : memref<1x2x3200xi32, #tpu.memory_space<vmem>> -> memref<2x3200xi32, #tpu.memory_space<vmem>>
            %parallel_loop3A_341 = arith.index_cast %parallel_loop3A_336 : i32 to index
            %parallel_loop3A_342 = arith.index_cast %parallel_loop3A_327 : i32 to index
            %parallel_loop3A_343 = tpu.vector_load %parallel_loop3A_340[%parallel_loop3A_341, %parallel_loop3A_342] {strides = array<i32>} : memref<2x3200xi32, #tpu.memory_space<vmem>>, vector<16xi32>,
            %parallel_loop3A_344 = tpu.memref_slice %run_scoped3A_27[%mul3A_263] : memref<6400xf32, #tpu.memory_space<vmem>> -> memref<3200xf32, #tpu.memory_space<vmem>>
            %parallel_loop3A_345 = arith.index_cast %parallel_loop3A_327 : i32 to index
            %parallel_loop3A_346 = tpu.vector_load %parallel_loop3A_344[%parallel_loop3A_345] {strides = array<i32>} : memref<3200xf32, #tpu.memory_space<vmem>>, vector<16xf32>,
            %parallel_loop3A_347 = tpu.vector_load_idx %arg8[%parallel_loop3A_335] : memref<100000xi32, #tpu.memory_space<vmem>>[vector<16xi32>], vector<16xi32>,
            %parallel_loop3A_348 = tpu.vector_load_idx %arg8[%parallel_loop3A_343] : memref<100000xi32, #tpu.memory_space<vmem>>[vector<16xi32>], vector<16xi32>,
            %parallel_loop3A_349 = arith.constant 4 : i32
            %parallel_loop3A_350 = vector.broadcast %parallel_loop3A_349 : i32 to vector<16xi32>
            %parallel_loop3A_351 = arith.muli %parallel_loop3A_347, %parallel_loop3A_350 : vector<16xi32>
            %parallel_loop3A_352 = arith.addi %parallel_loop3A_351, %parallel_loop3A_348 : vector<16xi32>
            %parallel_loop3A_353 = tpu.vector_load_idx %arg9[%parallel_loop3A_352] : memref<16xf32, #tpu.memory_space<vmem>>[vector<16xi32>], vector<16xf32>,
            %parallel_loop3A_354 = tpu.vector_load_idx %arg10[%parallel_loop3A_352] : memref<16xf32, #tpu.memory_space<vmem>>[vector<16xi32>], vector<16xf32>,
            %parallel_loop3A_355 = vector.broadcast %run_scoped3A : f32 to vector<16xf32>
            %parallel_loop3A_356 = arith.mulf %parallel_loop3A_346, %parallel_loop3A_355 : vector<16xf32>
            %parallel_loop3A_357 = arith.mulf %parallel_loop3A_356, %parallel_loop3A_356 : vector<16xf32>
            %parallel_loop3A_358 = arith.constant 1.000000e+00 : f32
            %parallel_loop3A_359 = vector.broadcast %parallel_loop3A_358 : f32 to vector<16xf32>
            %parallel_loop3A_360 = arith.cmpf olt, %parallel_loop3A_356, %parallel_loop3A_359 : vector<16xf32>
            %parallel_loop3A_361 = arith.mulf %parallel_loop3A_354, %parallel_loop3A_346 : vector<16xf32>
            %parallel_loop3A_362 = arith.constant 1.000000e+00 : f32
            %parallel_loop3A_363 = vector.broadcast %parallel_loop3A_362 : f32 to vector<16xf32>
            %parallel_loop3A_364 = arith.subf %parallel_loop3A_363, %parallel_loop3A_357 : vector<16xf32>
            %parallel_loop3A_365 = arith.constant 1.000000e+00 : f32
            %parallel_loop3A_366 = vector.broadcast %parallel_loop3A_365 : f32 to vector<16xf32>
            %parallel_loop3A_367 = arith.divf %parallel_loop3A_366, %parallel_loop3A_364 : vector<16xf32>
            %parallel_loop3A_368 = arith.constant 1.000000e+00 : f32
            %parallel_loop3A_369 = vector.broadcast %parallel_loop3A_368 : f32 to vector<16xf32>
            %parallel_loop3A_370 = arith.subf %parallel_loop3A_369, %parallel_loop3A_367 : vector<16xf32>
            %parallel_loop3A_371 = arith.addf %parallel_loop3A_361, %parallel_loop3A_370 : vector<16xf32>
            %parallel_loop3A_372 = math.exp %parallel_loop3A_371 : vector<16xf32>
            %parallel_loop3A_373 = arith.mulf %parallel_loop3A_353, %parallel_loop3A_372 : vector<16xf32>
            %parallel_loop3A_374 = arith.constant 0.000000e+00 : f32
            %parallel_loop3A_375 = vector.broadcast %parallel_loop3A_374 : f32 to vector<16xf32>
            %parallel_loop3A_376 = arith.select %parallel_loop3A_360, %parallel_loop3A_373, %parallel_loop3A_375 : vector<16xi1>, vector<16xf32>
            %parallel_loop3A_377 = arith.sitofp %parallel_loop3A_335 : vector<16xi32> to vector<16xf32>
            %parallel_loop3A_378 = vector.broadcast %run_scoped3A_21 : f32 to vector<16xf32>
            %parallel_loop3A_379 = arith.mulf %parallel_loop3A_377, %parallel_loop3A_378 : vector<16xf32>
            %parallel_loop3A_380 = arith.fptosi %parallel_loop3A_379 : vector<16xf32> to vector<16xi32>
            tpu.vector_store_idx %arg11[%parallel_loop3A_380], %parallel_loop3A_376 {add = true} : memref<1024xf32, #tpu.memory_space<vmem>>[vector<16xi32>], vector<16xf32>,
          } {sc.loop_unroll_factor = 8 : i64, sc.parallel_access}
          "tpu.trace_stop"() : () -> ()
          %ne3A_266 = arith.cmpi ne, %add3A_184, %add3A_202 : i32
          %or3A_267 = arith.constant false
          %or3A_268 = arith.ori %or3A_267, %ne3A_266 : i1
          %or3A_269 = arith.ori %or3A_268, %eq3A_183 : i1
          %convert_element_type3A_270 = arith.extui %or3A_269 : i1 to i32
          %cond3A_271 = arith.constant 0 : i32
          %cond3A_272 = arith.cmpi ne, %convert_element_type3A_270, %cond3A_271 : i32
          scf.if %cond3A_272 {
          } else {
          }
          %and3A_273 = arith.constant false
          %and3A_274 = arith.andi %or3A_269, %and3A_273 : i1
          %ne3A_275 = arith.cmpi ne, %add3A_184, %add3A_202 : i32
          %or3A_276 = arith.constant false
          %or3A_277 = arith.ori %or3A_276, %ne3A_275 : i1
          %or3A_278 = arith.ori %or3A_277, %eq3A_183 : i1
          %convert_element_type3A_279 = arith.extui %or3A_278 : i1 to i32
          %cond3A_280 = arith.constant 0 : i32
          %cond3A_281 = arith.cmpi ne, %convert_element_type3A_279, %cond3A_280 : i32
          scf.if %cond3A_281 {
          } else {
          }
          %and3A_282 = arith.constant false
          %and3A_283 = arith.andi %or3A_278, %and3A_282 : i1
          %ne3A_284 = arith.cmpi ne, %add3A_184, %add3A_194 : i32
          %or3A_285 = arith.constant false
          %or3A_286 = arith.ori %or3A_285, %ne3A_284 : i1
          %not3A_287 = arith.constant true
          %not3A_288 = arith.xori %eq3A_180, %not3A_287 : i1
          %and3A_289 = arith.andi %or3A_286, %not3A_288 : i1
          %convert_element_type3A_290 = arith.extui %and3A_289 : i1 to i32
          %cond3A_291 = arith.constant 0 : i32
          %cond3A_292 = arith.cmpi ne, %convert_element_type3A_290, %cond3A_291 : i32
          scf.if %cond3A_292 {
          } else {
          }
          %and3A_293 = arith.constant false
          %and3A_294 = arith.andi %and3A_289, %and3A_293 : i1
          %ne3A_295 = arith.cmpi ne, %add3A_184, %add3A_194 : i32
          %or3A_296 = arith.constant false
          %or3A_297 = arith.ori %or3A_296, %ne3A_295 : i1
          %not3A_298 = arith.constant true
          %not3A_299 = arith.xori %eq3A_180, %not3A_298 : i1
          %and3A_300 = arith.andi %or3A_297, %not3A_299 : i1
          %convert_element_type3A_301 = arith.extui %and3A_300 : i1 to i32
          %cond3A_302 = arith.constant 0 : i32
          %cond3A_303 = arith.cmpi ne, %convert_element_type3A_301, %cond3A_302 : i32
          scf.if %cond3A_303 {
          } else {
          }
          %and3A_304 = arith.constant false
          %and3A_305 = arith.andi %and3A_300, %and3A_304 : i1
          %ne3A_306 = arith.cmpi ne, %add3A_184, %add3A_202 : i32
          %or3A_307 = arith.constant false
          %or3A_308 = arith.ori %or3A_307, %ne3A_306 : i1
          %or3A_309 = arith.ori %or3A_308, %eq3A_183 : i1
          %add3A_310 = arith.constant 1 : i32
          %add3A_311 = arith.addi %while3A_173, %add3A_310 : i32
          %select_n3A_312 = arith.select %or3A_309, %add3A_311, %while3A_173 : i32
          %ne3A_313 = arith.cmpi ne, %add3A_184, %add3A_202 : i32
          %or3A_314 = arith.constant false
          %or3A_315 = arith.ori %or3A_314, %ne3A_313 : i1
          %or3A_316 = arith.ori %or3A_315, %eq3A_183 : i1
          %add3A_317 = arith.constant 1 : i32
          %add3A_318 = arith.addi %while3A_175, %add3A_317 : i32
          %select_n3A_319 = arith.select %or3A_316, %add3A_318, %while3A_175 : i32
          %add3A_320 = arith.constant 1 : i32
          %add3A_321 = arith.addi %while3A_176, %add3A_320 : i32
          %select_n3A_322 = arith.constant true
          %select_n3A_323 = arith.select %select_n3A_322, %add3A_321, %while3A_176 : i32
          %eq3A_324 = arith.cmpi eq, %select_n3A_323, %select_n3A : i32
          %select_n3A_325 = arith.constant 0 : i32
          %select_n3A_326 = arith.select %eq3A_324, %select_n3A_325, %select_n3A_323 : i32
          scf.yield %select_n3A_224, %select_n3A_312, %select_n3A_243, %select_n3A_319, %select_n3A_326 : i32, i32, i32, i32, i32
        }
        %while3A_118 = arith.constant 1 : i32
        %while3A_119:5 = scf.for %while3A_171 = %while3A_115 to %while3A_111 step %while3A_118 iter_args(%while3A_172 = %while3A_117#0, %while3A_173 = %while3A_117#1, %while3A_174 = %while3A_117#2, %while3A_175 = %while3A_117#3, %while3A_176 = %while3A_117#4) -> (i32, i32, i32, i32, i32)  : i32 {
          %mul3A_177 = arith.constant 1 : i32
          %mul3A_178 = arith.muli %mul3A_177, %select_n3A : i32
          %eq3A_179 = arith.constant 0 : i32
          %eq3A_180 = arith.cmpi eq, %while3A_171, %eq3A_179 : i32
          %sub3A_181 = arith.constant 1 : i32
          %sub3A_182 = arith.subi %mul3A_178, %sub3A_181 : i32
          %eq3A_183 = arith.cmpi eq, %while3A_171, %sub3A_182 : i32
          %add3A_184 = arith.addi %while3A_176, %select_n3A_18 : i32
          %sub3A_185 = arith.constant 1 : i32
          %sub3A_186 = arith.subi %while3A_176, %sub3A_185 : i32
          %select_n3A_187 = arith.constant true
          %select_n3A_188 = arith.select %select_n3A_187, %sub3A_186, %while3A_176 : i32
          %eq3A_189 = arith.constant -1 : i32
          %eq3A_190 = arith.cmpi eq, %select_n3A_188, %eq3A_189 : i32
          %sub3A_191 = arith.constant 1 : i32
          %sub3A_192 = arith.subi %select_n3A, %sub3A_191 : i32
          %select_n3A_193 = arith.select %eq3A_190, %sub3A_192, %select_n3A_188 : i32
          %add3A_194 = arith.addi %select_n3A_193, %select_n3A_18 : i32
          %add3A_195 = arith.constant 1 : i32
          %add3A_196 = arith.addi %while3A_176, %add3A_195 : i32
          %select_n3A_197 = arith.constant true
          %select_n3A_198 = arith.select %select_n3A_197, %add3A_196, %while3A_176 : i32
          %eq3A_199 = arith.cmpi eq, %select_n3A_198, %select_n3A : i32
          %select_n3A_200 = arith.constant 0 : i32
          %select_n3A_201 = arith.select %eq3A_199, %select_n3A_200, %select_n3A_198 : i32
          %add3A_202 = arith.addi %select_n3A_201, %select_n3A_18 : i32
          %add3A_203 = arith.constant 1 : i32
          %add3A_204 = arith.addi %select_n3A_201, %add3A_203 : i32
          %select_n3A_205 = arith.constant true
          %select_n3A_206 = arith.select %select_n3A_205, %add3A_204, %select_n3A_201 : i32
          %eq3A_207 = arith.cmpi eq, %select_n3A_206, %select_n3A : i32
          %select_n3A_208 = arith.constant 0 : i32
          %select_n3A_209 = arith.select %eq3A_207, %select_n3A_208, %select_n3A_206 : i32
          %add3A_210 = arith.addi %select_n3A_209, %select_n3A_18 : i32
          %ne3A = arith.cmpi ne, %add3A_184, %add3A_202 : i32
          %or3A = arith.constant false
          %or3A_211 = arith.ori %or3A, %ne3A : i1
          %sub3A_212 = arith.constant 2 : i32
          %sub3A_213 = arith.subi %mul3A_178, %sub3A_212 : i32
          %add3A_214 = arith.constant 1 : i32
          %add3A_215 = arith.addi %sub3A_213, %add3A_214 : i32
          %ge3A = arith.cmpi sge, %while3A_171, %add3A_215 : i32
          %not3A = arith.constant true
          %not3A_216 = arith.xori %ge3A, %not3A : i1
          %and3A = arith.andi %or3A_211, %not3A_216 : i1
          %convert_element_type3A_217 = arith.extui %and3A : i1 to i32
          %cond3A_218 = arith.constant 0 : i32
          %cond3A_219 = arith.cmpi ne, %convert_element_type3A_217, %cond3A_218 : i32
          scf.if %cond3A_219 {
            "tpu.trace_start"() <{level = 10 : i32, message = "ep_copy_in"}> : () -> ()
            %rem3A_327 = arith.constant 2 : i32
            %rem3A_328 = arith.remui %while3A_172, %rem3A_327 : i32
            %mul3A_329 = arith.constant 3200 : i32
            %mul3A_330 = arith.muli %mul3A_329, %add3A_202 : i32
            %dma_start3A_331 = arith.constant 0 : i32
            %dma_start3A_332 = arith.constant 0 : i32
            %dma_start3A_333 = tpu.memref_slice %run_scoped3A_25[%rem3A_328, %dma_start3A_331, %dma_start3A_332] : memref<2x2x3200xi32, #tpu.memory_space<vmem>> -> memref<1x2x3200xi32, #tpu.memory_space<vmem>>
            %dma_start3A_334 = tpu.memref_squeeze %dma_start3A_333 : memref<1x2x3200xi32, #tpu.memory_space<vmem>> -> memref<2x3200xi32, #tpu.memory_space<vmem>>
            %dma_start3A_335 = arith.constant 0 : i32
            %dma_start3A_336 = tpu.memref_slice %arg3[%dma_start3A_335, %mul3A_330] : memref<2x3200000xi32, #tpu.memory_space<hbm>> -> memref<2x3200xi32, #tpu.memory_space<hbm>>
            %dma_start3A_337 = tpu.memref_slice %run_scoped3A_26[%rem3A_328] : memref<2x!tpu.dma_semaphore, #tpu.memory_space<semaphore_mem>> -> memref<1x!tpu.dma_semaphore, #tpu.memory_space<semaphore_mem>>
            %dma_start3A_338 = tpu.memref_squeeze %dma_start3A_337 : memref<1x!tpu.dma_semaphore, #tpu.memory_space<semaphore_mem>> -> memref<!tpu.dma_semaphore, #tpu.memory_space<semaphore_mem>>
            %dma_start3A_339 = arith.constant 0 : i32
            %dma_start3A_340 = arith.constant 0 : i32
            %dma_start3A_341 = tpu.memref_slice %run_scoped3A_25[%rem3A_328, %dma_start3A_339, %dma_start3A_340] : memref<2x2x3200xi32, #tpu.memory_space<vmem>> -> memref<1x2x3200xi32, #tpu.memory_space<vmem>>
            %dma_start3A_342 = tpu.memref_squeeze %dma_start3A_341 : memref<1x2x3200xi32, #tpu.memory_space<vmem>> -> memref<2x3200xi32, #tpu.memory_space<vmem>>
            %dma_start3A_343 = arith.constant 0 : i32
            %dma_start3A_344 = tpu.memref_slice %arg3[%dma_start3A_343, %mul3A_330] : memref<2x3200000xi32, #tpu.memory_space<hbm>> -> memref<2x3200xi32, #tpu.memory_space<hbm>>
            tpu.enqueue_dma source(%dma_start3A_344 : memref<2x3200xi32, #tpu.memory_space<hbm>>) target(%dma_start3A_342 : memref<2x3200xi32, #tpu.memory_space<vmem>>) target_semaphore(%dma_start3A_338 : memref<!tpu.dma_semaphore, #tpu.memory_space<semaphore_mem>>)
            "tpu.trace_stop"() : () -> ()
          } else {
          }
          %and3A_220 = arith.constant true
          %and3A_221 = arith.andi %and3A, %and3A_220 : i1
          %add3A_222 = arith.constant 1 : i32
          %add3A_223 = arith.addi %while3A_172, %add3A_222 : i32
          %select_n3A_224 = arith.select %and3A_221, %add3A_223, %while3A_172 : i32
          %ne3A_225 = arith.cmpi ne, %add3A_184, %add3A_202 : i32
          %or3A_226 = arith.constant false
          %or3A_227 = arith.ori %or3A_226, %ne3A_225 : i1
          %sub3A_228 = arith.constant 2 : i32
          %sub3A_229 = arith.subi %mul3A_178, %sub3A_228 : i32
          %add3A_230 = arith.constant 1 : i32
          %add3A_231 = arith.addi %sub3A_229, %add3A_230 : i32
          %ge3A_232 = arith.cmpi sge, %while3A_171, %add3A_231 : i32
          %not3A_233 = arith.constant true
          %not3A_234 = arith.xori %ge3A_232, %not3A_233 : i1
          %and3A_235 = arith.andi %or3A_227, %not3A_234 : i1
          %convert_element_type3A_236 = arith.extui %and3A_235 : i1 to i32
          %cond3A_237 = arith.constant 0 : i32
          %cond3A_238 = arith.cmpi ne, %convert_element_type3A_236, %cond3A_237 : i32
          scf.if %cond3A_238 {
            "tpu.trace_start"() <{level = 10 : i32, message = "ep_copy_in"}> : () -> ()
            %rem3A_327 = arith.constant 2 : i32
            %rem3A_328 = arith.remui %while3A_174, %rem3A_327 : i32
            %mul3A_329 = arith.constant 3200 : i32
            %mul3A_330 = arith.muli %mul3A_329, %add3A_202 : i32
            %mul3A_331 = arith.constant 3200 : i32
            %mul3A_332 = arith.muli %rem3A_328, %mul3A_331 : i32
            %add3A_333 = arith.constant 0 : i32
            %add3A_334 = arith.addi %mul3A_332, %add3A_333 : i32
            %dma_start3A_335 = tpu.memref_slice %run_scoped3A_27[%add3A_334] : memref<6400xf32, #tpu.memory_space<vmem>> -> memref<3200xf32, #tpu.memory_space<vmem>>
            %dma_start3A_336 = tpu.memref_slice %arg4[%mul3A_330] : memref<3200000xf32, #tpu.memory_space<hbm>> -> memref<3200xf32, #tpu.memory_space<hbm>>
            %dma_start3A_337 = tpu.memref_slice %run_scoped3A_28[%rem3A_328] : memref<2x!tpu.dma_semaphore, #tpu.memory_space<semaphore_mem>> -> memref<1x!tpu.dma_semaphore, #tpu.memory_space<semaphore_mem>>
            %dma_start3A_338 = tpu.memref_squeeze %dma_start3A_337 : memref<1x!tpu.dma_semaphore, #tpu.memory_space<semaphore_mem>> -> memref<!tpu.dma_semaphore, #tpu.memory_space<semaphore_mem>>
            %dma_start3A_339 = tpu.memref_slice %run_scoped3A_27[%add3A_334] : memref<6400xf32, #tpu.memory_space<vmem>> -> memref<3200xf32, #tpu.memory_space<vmem>>
            %dma_start3A_340 = tpu.memref_slice %arg4[%mul3A_330] : memref<3200000xf32, #tpu.memory_space<hbm>> -> memref<3200xf32, #tpu.memory_space<hbm>>
            tpu.enqueue_dma source(%dma_start3A_340 : memref<3200xf32, #tpu.memory_space<hbm>>) target(%dma_start3A_339 : memref<3200xf32, #tpu.memory_space<vmem>>) target_semaphore(%dma_start3A_338 : memref<!tpu.dma_semaphore, #tpu.memory_space<semaphore_mem>>)
            "tpu.trace_stop"() : () -> ()
          } else {
          }
          %and3A_239 = arith.constant true
          %and3A_240 = arith.andi %and3A_235, %and3A_239 : i1
          %add3A_241 = arith.constant 1 : i32
          %add3A_242 = arith.addi %while3A_174, %add3A_241 : i32
          %select_n3A_243 = arith.select %and3A_240, %add3A_242, %while3A_174 : i32
          %ne3A_244 = arith.cmpi ne, %add3A_184, %add3A_194 : i32
          %or3A_245 = arith.constant false
          %or3A_246 = arith.ori %or3A_245, %ne3A_244 : i1
          %or3A_247 = arith.ori %or3A_246, %eq3A_180 : i1
          %convert_element_type3A_248 = arith.extui %or3A_247 : i1 to i32
          %cond3A_249 = arith.constant 0 : i32
          %cond3A_250 = arith.cmpi ne, %convert_element_type3A_248, %cond3A_249 : i32
          scf.if %cond3A_250 {
            "tpu.trace_start"() <{level = 10 : i32, message = "ep_wait_in"}> : () -> ()
            %mul3A_327 = arith.constant 3200 : i32
            %mul3A_328 = arith.muli %mul3A_327, %add3A_184 : i32
            %rem3A_329 = arith.constant 2 : i32
            %rem3A_330 = arith.remui %while3A_173, %rem3A_329 : i32
            %dma_wait3A = arith.constant 0 : i32
            %dma_wait3A_331 = arith.constant 0 : i32
            %dma_wait3A_332 = tpu.memref_slice %run_scoped3A_25[%rem3A_330, %dma_wait3A, %dma_wait3A_331] : memref<2x2x3200xi32, #tpu.memory_space<vmem>> -> memref<1x2x3200xi32, #tpu.memory_space<vmem>>
            %dma_wait3A_333 = tpu.memref_squeeze %dma_wait3A_332 : memref<1x2x3200xi32, #tpu.memory_space<vmem>> -> memref<2x3200xi32, #tpu.memory_space<vmem>>
            %dma_wait3A_334 = arith.constant 0 : i32
            %dma_wait3A_335 = tpu.memref_slice %arg3[%dma_wait3A_334, %mul3A_328] : memref<2x3200000xi32, #tpu.memory_space<hbm>> -> memref<2x3200xi32, #tpu.memory_space<hbm>>
            %dma_wait3A_336 = tpu.memref_slice %run_scoped3A_26[%rem3A_330] : memref<2x!tpu.dma_semaphore, #tpu.memory_space<semaphore_mem>> -> memref<1x!tpu.dma_semaphore, #tpu.memory_space<semaphore_mem>>
            %dma_wait3A_337 = tpu.memref_squeeze %dma_wait3A_336 : memref<1x!tpu.dma_semaphore, #tpu.memory_space<semaphore_mem>> -> memref<!tpu.dma_semaphore, #tpu.memory_space<semaphore_mem>>
            %dma_wait3A_338 = arith.constant 0 : i32
            %dma_wait3A_339 = arith.constant 0 : i32
            %dma_wait3A_340 = tpu.memref_slice %run_scoped3A_25[%rem3A_330, %dma_wait3A_338, %dma_wait3A_339] : memref<2x2x3200xi32, #tpu.memory_space<vmem>> -> memref<1x2x3200xi32, #tpu.memory_space<vmem>>
            %dma_wait3A_341 = tpu.memref_squeeze %dma_wait3A_340 : memref<1x2x3200xi32, #tpu.memory_space<vmem>> -> memref<2x3200xi32, #tpu.memory_space<vmem>>
            %dma_wait3A_342 = arith.constant 0 : i32
            %dma_wait3A_343 = tpu.memref_slice %arg3[%dma_wait3A_342, %mul3A_328] : memref<2x3200000xi32, #tpu.memory_space<hbm>> -> memref<2x3200xi32, #tpu.memory_space<hbm>>
            tpu.wait_dma2 semaphore(%dma_wait3A_337 : memref<!tpu.dma_semaphore, #tpu.memory_space<semaphore_mem>>) src(%dma_wait3A_343 : memref<2x3200xi32, #tpu.memory_space<hbm>>) dst(%dma_wait3A_341 : memref<2x3200xi32, #tpu.memory_space<vmem>>)
            "tpu.trace_stop"() : () -> ()
          } else {
          }
          %ne3A_251 = arith.cmpi ne, %add3A_184, %add3A_194 : i32
          %or3A_252 = arith.constant false
          %or3A_253 = arith.ori %or3A_252, %ne3A_251 : i1
          %or3A_254 = arith.ori %or3A_253, %eq3A_180 : i1
          %convert_element_type3A_255 = arith.extui %or3A_254 : i1 to i32
          %cond3A_256 = arith.constant 0 : i32
          %cond3A_257 = arith.cmpi ne, %convert_element_type3A_255, %cond3A_256 : i32
          scf.if %cond3A_257 {
            "tpu.trace_start"() <{level = 10 : i32, message = "ep_wait_in"}> : () -> ()
            %mul3A_327 = arith.constant 3200 : i32
            %mul3A_328 = arith.muli %mul3A_327, %add3A_184 : i32
            %rem3A_329 = arith.constant 2 : i32
            %rem3A_330 = arith.remui %while3A_175, %rem3A_329 : i32
            %mul3A_331 = arith.constant 3200 : i32
            %mul3A_332 = arith.muli %rem3A_330, %mul3A_331 : i32
            %add3A_333 = arith.constant 0 : i32
            %add3A_334 = arith.addi %mul3A_332, %add3A_333 : i32
            %dma_wait3A = tpu.memref_slice %run_scoped3A_27[%add3A_334] : memref<6400xf32, #tpu.memory_space<vmem>> -> memref<3200xf32, #tpu.memory_space<vmem>>
            %dma_wait3A_335 = tpu.memref_slice %arg4[%mul3A_328] : memref<3200000xf32, #tpu.memory_space<hbm>> -> memref<3200xf32, #tpu.memory_space<hbm>>
            %dma_wait3A_336 = tpu.memref_slice %run_scoped3A_28[%rem3A_330] : memref<2x!tpu.dma_semaphore, #tpu.memory_space<semaphore_mem>> -> memref<1x!tpu.dma_semaphore, #tpu.memory_space<semaphore_mem>>
            %dma_wait3A_337 = tpu.memref_squeeze %dma_wait3A_336 : memref<1x!tpu.dma_semaphore, #tpu.memory_space<semaphore_mem>> -> memref<!tpu.dma_semaphore, #tpu.memory_space<semaphore_mem>>
            %dma_wait3A_338 = tpu.memref_slice %run_scoped3A_27[%add3A_334] : memref<6400xf32, #tpu.memory_space<vmem>> -> memref<3200xf32, #tpu.memory_space<vmem>>
            %dma_wait3A_339 = tpu.memref_slice %arg4[%mul3A_328] : memref<3200000xf32, #tpu.memory_space<hbm>> -> memref<3200xf32, #tpu.memory_space<hbm>>
            tpu.wait_dma2 semaphore(%dma_wait3A_337 : memref<!tpu.dma_semaphore, #tpu.memory_space<semaphore_mem>>) src(%dma_wait3A_339 : memref<3200xf32, #tpu.memory_space<hbm>>) dst(%dma_wait3A_338 : memref<3200xf32, #tpu.memory_space<vmem>>)
            "tpu.trace_stop"() : () -> ()
          } else {
          }
          %rem3A_258 = arith.constant 2 : i32
          %rem3A_259 = arith.remui %while3A_173, %rem3A_258 : i32
          %rem3A_260 = arith.constant 2 : i32
          %rem3A_261 = arith.remui %while3A_175, %rem3A_260 : i32
          %mul3A_262 = arith.constant 3200 : i32
          %mul3A_263 = arith.muli %rem3A_261, %mul3A_262 : i32
          %parallel_loop3A = arith.constant 0 : i32
          %parallel_loop3A_264 = arith.constant 3200 : i32
          %parallel_loop3A_265 = arith.constant 16 : i32
          "tpu.trace_start"() <{level = 10 : i32, message = "ep_run_kernel"}> : () -> ()
          scf.for %parallel_loop3A_327 = %parallel_loop3A to %parallel_loop3A_264 step %parallel_loop3A_265  : i32 {
            %parallel_loop3A_328 = arith.constant 0 : i32
            %parallel_loop3A_329 = arith.constant 0 : i32
            %parallel_loop3A_330 = arith.constant 0 : i32
            %parallel_loop3A_331 = tpu.memref_slice %run_scoped3A_25[%rem3A_259, %parallel_loop3A_329, %parallel_loop3A_330] : memref<2x2x3200xi32, #tpu.memory_space<vmem>> -> memref<1x2x3200xi32, #tpu.memory_space<vmem>>
            %parallel_loop3A_332 = tpu.memref_squeeze %parallel_loop3A_331 : memref<1x2x3200xi32, #tpu.memory_space<vmem>> -> memref<2x3200xi32, #tpu.memory_space<vmem>>
            %parallel_loop3A_333 = arith.index_cast %parallel_loop3A_328 : i32 to index
            %parallel_loop3A_334 = arith.index_cast %parallel_loop3A_327 : i32 to index
            %parallel_loop3A_335 = tpu.vector_load %parallel_loop3A_332[%parallel_loop3A_333, %parallel_loop3A_334] {strides = array<i32>} : memref<2x3200xi32, #tpu.memory_space<vmem>>, vector<16xi32>,
            %parallel_loop3A_336 = arith.constant 1 : i32
            %parallel_loop3A_337 = arith.constant 0 : i32
            %parallel_loop3A_338 = arith.constant 0 : i32
            %parallel_loop3A_339 = tpu.memref_slice %run_scoped3A_25[%rem3A_259, %parallel_loop3A_337, %parallel_loop3A_338] : memref<2x2x3200xi32, #tpu.memory_space<vmem>> -> memref<1x2x3200xi32, #tpu.memory_space<vmem>>
            %parallel_loop3A_340 = tpu.memref_squeeze %parallel_loop3A_339 : memref<1x2x3200xi32, #tpu.memory_space<vmem>> -> memref<2x3200xi32, #tpu.memory_space<vmem>>
            %parallel_loop3A_341 = arith.index_cast %parallel_loop3A_336 : i32 to index
            %parallel_loop3A_342 = arith.index_cast %parallel_loop3A_327 : i32 to index
            %parallel_loop3A_343 = tpu.vector_load %parallel_loop3A_340[%parallel_loop3A_341, %parallel_loop3A_342] {strides = array<i32>} : memref<2x3200xi32, #tpu.memory_space<vmem>>, vector<16xi32>,
            %parallel_loop3A_344 = tpu.memref_slice %run_scoped3A_27[%mul3A_263] : memref<6400xf32, #tpu.memory_space<vmem>> -> memref<3200xf32, #tpu.memory_space<vmem>>
            %parallel_loop3A_345 = arith.index_cast %parallel_loop3A_327 : i32 to index
            %parallel_loop3A_346 = tpu.vector_load %parallel_loop3A_344[%parallel_loop3A_345] {strides = array<i32>} : memref<3200xf32, #tpu.memory_space<vmem>>, vector<16xf32>,
            %parallel_loop3A_347 = tpu.vector_load_idx %arg8[%parallel_loop3A_335] : memref<100000xi32, #tpu.memory_space<vmem>>[vector<16xi32>], vector<16xi32>,
            %parallel_loop3A_348 = tpu.vector_load_idx %arg8[%parallel_loop3A_343] : memref<100000xi32, #tpu.memory_space<vmem>>[vector<16xi32>], vector<16xi32>,
            %parallel_loop3A_349 = arith.constant 4 : i32
            %parallel_loop3A_350 = vector.broadcast %parallel_loop3A_349 : i32 to vector<16xi32>
            %parallel_loop3A_351 = arith.muli %parallel_loop3A_347, %parallel_loop3A_350 : vector<16xi32>
            %parallel_loop3A_352 = arith.addi %parallel_loop3A_351, %parallel_loop3A_348 : vector<16xi32>
            %parallel_loop3A_353 = tpu.vector_load_idx %arg9[%parallel_loop3A_352] : memref<16xf32, #tpu.memory_space<vmem>>[vector<16xi32>], vector<16xf32>,
            %parallel_loop3A_354 = tpu.vector_load_idx %arg10[%parallel_loop3A_352] : memref<16xf32, #tpu.memory_space<vmem>>[vector<16xi32>], vector<16xf32>,
            %parallel_loop3A_355 = vector.broadcast %run_scoped3A : f32 to vector<16xf32>
            %parallel_loop3A_356 = arith.mulf %parallel_loop3A_346, %parallel_loop3A_355 : vector<16xf32>
            %parallel_loop3A_357 = arith.mulf %parallel_loop3A_356, %parallel_loop3A_356 : vector<16xf32>
            %parallel_loop3A_358 = arith.constant 1.000000e+00 : f32
            %parallel_loop3A_359 = vector.broadcast %parallel_loop3A_358 : f32 to vector<16xf32>
            %parallel_loop3A_360 = arith.cmpf olt, %parallel_loop3A_356, %parallel_loop3A_359 : vector<16xf32>
            %parallel_loop3A_361 = arith.mulf %parallel_loop3A_354, %parallel_loop3A_346 : vector<16xf32>
            %parallel_loop3A_362 = arith.constant 1.000000e+00 : f32
            %parallel_loop3A_363 = vector.broadcast %parallel_loop3A_362 : f32 to vector<16xf32>
            %parallel_loop3A_364 = arith.subf %parallel_loop3A_363, %parallel_loop3A_357 : vector<16xf32>
            %parallel_loop3A_365 = arith.constant 1.000000e+00 : f32
            %parallel_loop3A_366 = vector.broadcast %parallel_loop3A_365 : f32 to vector<16xf32>
            %parallel_loop3A_367 = arith.divf %parallel_loop3A_366, %parallel_loop3A_364 : vector<16xf32>
            %parallel_loop3A_368 = arith.constant 1.000000e+00 : f32
            %parallel_loop3A_369 = vector.broadcast %parallel_loop3A_368 : f32 to vector<16xf32>
            %parallel_loop3A_370 = arith.subf %parallel_loop3A_369, %parallel_loop3A_367 : vector<16xf32>
            %parallel_loop3A_371 = arith.addf %parallel_loop3A_361, %parallel_loop3A_370 : vector<16xf32>
            %parallel_loop3A_372 = math.exp %parallel_loop3A_371 : vector<16xf32>
            %parallel_loop3A_373 = arith.mulf %parallel_loop3A_353, %parallel_loop3A_372 : vector<16xf32>
            %parallel_loop3A_374 = arith.constant 0.000000e+00 : f32
            %parallel_loop3A_375 = vector.broadcast %parallel_loop3A_374 : f32 to vector<16xf32>
            %parallel_loop3A_376 = arith.select %parallel_loop3A_360, %parallel_loop3A_373, %parallel_loop3A_375 : vector<16xi1>, vector<16xf32>
            %parallel_loop3A_377 = arith.sitofp %parallel_loop3A_335 : vector<16xi32> to vector<16xf32>
            %parallel_loop3A_378 = vector.broadcast %run_scoped3A_21 : f32 to vector<16xf32>
            %parallel_loop3A_379 = arith.mulf %parallel_loop3A_377, %parallel_loop3A_378 : vector<16xf32>
            %parallel_loop3A_380 = arith.fptosi %parallel_loop3A_379 : vector<16xf32> to vector<16xi32>
            tpu.vector_store_idx %arg11[%parallel_loop3A_380], %parallel_loop3A_376 {add = true} : memref<1024xf32, #tpu.memory_space<vmem>>[vector<16xi32>], vector<16xf32>,
          } {sc.loop_unroll_factor = 8 : i64, sc.parallel_access}
          "tpu.trace_stop"() : () -> ()
          %ne3A_266 = arith.cmpi ne, %add3A_184, %add3A_202 : i32
          %or3A_267 = arith.constant false
          %or3A_268 = arith.ori %or3A_267, %ne3A_266 : i1
          %or3A_269 = arith.ori %or3A_268, %eq3A_183 : i1
          %convert_element_type3A_270 = arith.extui %or3A_269 : i1 to i32
          %cond3A_271 = arith.constant 0 : i32
          %cond3A_272 = arith.cmpi ne, %convert_element_type3A_270, %cond3A_271 : i32
          scf.if %cond3A_272 {
          } else {
          }
          %and3A_273 = arith.constant false
          %and3A_274 = arith.andi %or3A_269, %and3A_273 : i1
          %ne3A_275 = arith.cmpi ne, %add3A_184, %add3A_202 : i32
          %or3A_276 = arith.constant false
          %or3A_277 = arith.ori %or3A_276, %ne3A_275 : i1
          %or3A_278 = arith.ori %or3A_277, %eq3A_183 : i1
          %convert_element_type3A_279 = arith.extui %or3A_278 : i1 to i32
          %cond3A_280 = arith.constant 0 : i32
          %cond3A_281 = arith.cmpi ne, %convert_element_type3A_279, %cond3A_280 : i32
          scf.if %cond3A_281 {
          } else {
          }
          %and3A_282 = arith.constant false
          %and3A_283 = arith.andi %or3A_278, %and3A_282 : i1
          %ne3A_284 = arith.cmpi ne, %add3A_184, %add3A_194 : i32
          %or3A_285 = arith.constant false
          %or3A_286 = arith.ori %or3A_285, %ne3A_284 : i1
          %not3A_287 = arith.constant true
          %not3A_288 = arith.xori %eq3A_180, %not3A_287 : i1
          %and3A_289 = arith.andi %or3A_286, %not3A_288 : i1
          %convert_element_type3A_290 = arith.extui %and3A_289 : i1 to i32
          %cond3A_291 = arith.constant 0 : i32
          %cond3A_292 = arith.cmpi ne, %convert_element_type3A_290, %cond3A_291 : i32
          scf.if %cond3A_292 {
          } else {
          }
          %and3A_293 = arith.constant false
          %and3A_294 = arith.andi %and3A_289, %and3A_293 : i1
          %ne3A_295 = arith.cmpi ne, %add3A_184, %add3A_194 : i32
          %or3A_296 = arith.constant false
          %or3A_297 = arith.ori %or3A_296, %ne3A_295 : i1
          %not3A_298 = arith.constant true
          %not3A_299 = arith.xori %eq3A_180, %not3A_298 : i1
          %and3A_300 = arith.andi %or3A_297, %not3A_299 : i1
          %convert_element_type3A_301 = arith.extui %and3A_300 : i1 to i32
          %cond3A_302 = arith.constant 0 : i32
          %cond3A_303 = arith.cmpi ne, %convert_element_type3A_301, %cond3A_302 : i32
          scf.if %cond3A_303 {
          } else {
          }
          %and3A_304 = arith.constant false
          %and3A_305 = arith.andi %and3A_300, %and3A_304 : i1
          %ne3A_306 = arith.cmpi ne, %add3A_184, %add3A_202 : i32
          %or3A_307 = arith.constant false
          %or3A_308 = arith.ori %or3A_307, %ne3A_306 : i1
          %or3A_309 = arith.ori %or3A_308, %eq3A_183 : i1
          %add3A_310 = arith.constant 1 : i32
          %add3A_311 = arith.addi %while3A_173, %add3A_310 : i32
          %select_n3A_312 = arith.select %or3A_309, %add3A_311, %while3A_173 : i32
          %ne3A_313 = arith.cmpi ne, %add3A_184, %add3A_202 : i32
          %or3A_314 = arith.constant false
          %or3A_315 = arith.ori %or3A_314, %ne3A_313 : i1
          %or3A_316 = arith.ori %or3A_315, %eq3A_183 : i1
          %add3A_317 = arith.constant 1 : i32
          %add3A_318 = arith.addi %while3A_175, %add3A_317 : i32
          %select_n3A_319 = arith.select %or3A_316, %add3A_318, %while3A_175 : i32
          %add3A_320 = arith.constant 1 : i32
          %add3A_321 = arith.addi %while3A_176, %add3A_320 : i32
          %select_n3A_322 = arith.constant true
          %select_n3A_323 = arith.select %select_n3A_322, %add3A_321, %while3A_176 : i32
          %eq3A_324 = arith.cmpi eq, %select_n3A_323, %select_n3A : i32
          %select_n3A_325 = arith.constant 0 : i32
          %select_n3A_326 = arith.select %eq3A_324, %select_n3A_325, %select_n3A_323 : i32
          scf.yield %select_n3A_224, %select_n3A_312, %select_n3A_243, %select_n3A_319, %select_n3A_326 : i32, i32, i32, i32, i32
        }
        %sub3A_120 = arith.constant 1 : i32
        %sub3A_121 = arith.subi %while3A_119#4, %sub3A_120 : i32
        %select_n3A_122 = arith.constant true
        %select_n3A_123 = arith.select %select_n3A_122, %sub3A_121, %while3A_119#4 : i32
        %eq3A_124 = arith.constant -1 : i32
        %eq3A_125 = arith.cmpi eq, %select_n3A_123, %eq3A_124 : i32
        %sub3A_126 = arith.constant 1 : i32
        %sub3A_127 = arith.subi %select_n3A, %sub3A_126 : i32
        %select_n3A_128 = arith.select %eq3A_125, %sub3A_127, %select_n3A_123 : i32
        %sub3A_129 = arith.constant 1 : i32
        %sub3A_130 = arith.subi %mul3A_20, %sub3A_129 : i32
        %mul3A_131 = arith.constant 1 : i32
        %mul3A_132 = arith.muli %mul3A_131, %select_n3A : i32
        %eq3A_133 = arith.constant 0 : i32
        %eq3A_134 = arith.cmpi eq, %sub3A_130, %eq3A_133 : i32
        %sub3A_135 = arith.constant 1 : i32
        %sub3A_136 = arith.subi %mul3A_132, %sub3A_135 : i32
        %eq3A_137 = arith.cmpi eq, %sub3A_130, %sub3A_136 : i32
        %add3A_138 = arith.addi %select_n3A_128, %select_n3A_18 : i32
        %sub3A_139 = arith.constant 1 : i32
        %sub3A_140 = arith.subi %select_n3A_128, %sub3A_139 : i32
        %select_n3A_141 = arith.constant true
        %select_n3A_142 = arith.select %select_n3A_141, %sub3A_140, %select_n3A_128 : i32
        %eq3A_143 = arith.constant -1 : i32
        %eq3A_144 = arith.cmpi eq, %select_n3A_142, %eq3A_143 : i32
        %sub3A_145 = arith.constant 1 : i32
        %sub3A_146 = arith.subi %select_n3A, %sub3A_145 : i32
        %select_n3A_147 = arith.select %eq3A_144, %sub3A_146, %select_n3A_142 : i32
        %add3A_148 = arith.addi %select_n3A_147, %select_n3A_18 : i32
        %add3A_149 = arith.constant 1 : i32
        %add3A_150 = arith.addi %select_n3A_128, %add3A_149 : i32
        %select_n3A_151 = arith.constant true
        %select_n3A_152 = arith.select %select_n3A_151, %add3A_150, %select_n3A_128 : i32
        %eq3A_153 = arith.cmpi eq, %select_n3A_152, %select_n3A : i32
        %select_n3A_154 = arith.constant 0 : i32
        %select_n3A_155 = arith.select %eq3A_153, %select_n3A_154, %select_n3A_152 : i32
        %add3A_156 = arith.addi %select_n3A_155, %select_n3A_18 : i32
        %add3A_157 = arith.constant 1 : i32
        %add3A_158 = arith.addi %select_n3A_155, %add3A_157 : i32
        %select_n3A_159 = arith.constant true
        %select_n3A_160 = arith.select %select_n3A_159, %add3A_158, %select_n3A_155 : i32
        %eq3A_161 = arith.cmpi eq, %select_n3A_160, %select_n3A : i32
        %select_n3A_162 = arith.constant 0 : i32
        %select_n3A_163 = arith.select %eq3A_161, %select_n3A_162, %select_n3A_160 : i32
        %add3A_164 = arith.addi %select_n3A_163, %select_n3A_18 : i32
        %convert_element_type3A_165 = arith.extui %eq3A_137 : i1 to i32
        %cond3A_166 = arith.constant 0 : i32
        %cond3A_167 = arith.cmpi ne, %convert_element_type3A_165, %cond3A_166 : i32
        scf.if %cond3A_167 {
        } else {
        }
        %convert_element_type3A_168 = arith.extui %eq3A_137 : i1 to i32
        %cond3A_169 = arith.constant 0 : i32
        %cond3A_170 = arith.cmpi ne, %convert_element_type3A_168, %cond3A_169 : i32
        scf.if %cond3A_170 {
        } else {
        }
      } else {
      }
      tpu.yield
    }) : () -> ()
    %mul3A_22 = arith.constant 2 : i32
    %mul3A_23 = arith.muli %arg1, %mul3A_22 : i32
    %add3A_24 = arith.addi %mul3A_23, %arg0 : i32
    "tpu.region"() ({
      %run_scoped3A_25 = tpu.sem_alloc : memref<!tpu.dma_semaphore, #tpu.memory_space<semaphore_mem>>
      %dma_start3A = arith.constant 0 : i32
      %dma_start3A_26 = tpu.memref_slice %arg7[%add3A_24, %dma_start3A] : memref<32x1024xf32, #tpu.memory_space<hbm>> -> memref<1x1024xf32, #tpu.memory_space<hbm>>
      %dma_start3A_27 = tpu.memref_squeeze %dma_start3A_26 : memref<1x1024xf32, #tpu.memory_space<hbm>> -> memref<1024xf32, #tpu.memory_space<hbm>>
      %dma_start3A_28 = arith.constant 0 : i32
      %dma_start3A_29 = tpu.memref_slice %arg7[%add3A_24, %dma_start3A_28] : memref<32x1024xf32, #tpu.memory_space<hbm>> -> memref<1x1024xf32, #tpu.memory_space<hbm>>
      %dma_start3A_30 = tpu.memref_squeeze %dma_start3A_29 : memref<1x1024xf32, #tpu.memory_space<hbm>> -> memref<1024xf32, #tpu.memory_space<hbm>>
      tpu.enqueue_dma source(%arg11 : memref<1024xf32, #tpu.memory_space<vmem>>) target(%dma_start3A_30 : memref<1024xf32, #tpu.memory_space<hbm>>) target_semaphore(%run_scoped3A_25 : memref<!tpu.dma_semaphore, #tpu.memory_space<semaphore_mem>>)
      %dma_wait3A = arith.constant 0 : i32
      %dma_wait3A_31 = tpu.memref_slice %arg7[%add3A_24, %dma_wait3A] : memref<32x1024xf32, #tpu.memory_space<hbm>> -> memref<1x1024xf32, #tpu.memory_space<hbm>>
      %dma_wait3A_32 = tpu.memref_squeeze %dma_wait3A_31 : memref<1x1024xf32, #tpu.memory_space<hbm>> -> memref<1024xf32, #tpu.memory_space<hbm>>
      %dma_wait3A_33 = arith.constant 0 : i32
      %dma_wait3A_34 = tpu.memref_slice %arg7[%add3A_24, %dma_wait3A_33] : memref<32x1024xf32, #tpu.memory_space<hbm>> -> memref<1x1024xf32, #tpu.memory_space<hbm>>
      %dma_wait3A_35 = tpu.memref_squeeze %dma_wait3A_34 : memref<1x1024xf32, #tpu.memory_space<hbm>> -> memref<1024xf32, #tpu.memory_space<hbm>>
      tpu.wait_dma2 semaphore(%run_scoped3A_25 : memref<!tpu.dma_semaphore, #tpu.memory_space<semaphore_mem>>) src(%arg11 : memref<1024xf32, #tpu.memory_space<vmem>>) dst(%dma_wait3A_35 : memref<1024xf32, #tpu.memory_space<hbm>>)
      tpu.yield
    }) : () -> ()
    return
  }
}

</mosaic_0001>

<sc_bundles>
// kernel: kernel.3.cloned.1.call-start
scs
__scs_entry_jumppad:
0x0: {  	(pc) =	sbr.rel $0x88, $3  }
0x1: {  	(tag) =	ssettag $0x0;
	lr =	simm.s32 $0x1  }
0x2: {  	[smem:$0x3F9B] =	sst lr;
	_ =	strace $0xD0000000  }
0x3: {  	_ = 	snop  }
0x4: {  	_ = 	snop  }
0x5: {  	_ = 	snop  }
0x6: {  	_ = 	snop  }
0x7: {  	_ = 	snop  }
__scs_overlays_trampoline_lowered:
0x8: {  	[smem:$0x3FAA] =	sst s0  }
0x9: {  	[smem:$0x3FAB] =	sst s1  }
0xa: {  	[smem:$0x3FAC] =	sst s2  }
0xb: {  	[smem:$0x3FAD] =	sst s3  }
0xc: {  	[smem:$0x3FAE] =	sst s4  }
0xd: {  	[smem:$0x3FAF] =	sst s5  }
0xe: {  	[smem:$0x3FB0] =	sst s6  }
0xf: {  	[smem:$0x3FB1] =	sst s7  }
0x10: {  	[smem:$0x3FB2] =	sst s8  }
0x11: {  	[smem:$0x3FB3] =	sst s9;
	s0 =	simm.s32 @!p0 $0x0  }
0x12: {  	s1 =	sld [smem:$0x3F99];
	s0 =	simm.s32 @p0 $0x1  }
0x13: {  	[smem:$0x3FB4] =	sst s0;
	s0 =	simm.s32 @!p1 $0x0  }
0x14: {  	s2 =	sld [smem:$0x3F98];
	s0 =	simm.s32 @p1 $0x1  }
0x15: {  	[smem:$0x3FB5] =	sst s0;
	s0 =	simm.s32 @!p2 $0x0  }
0x16: {  	s3 =	sld [smem:$0x3FDB];
	s0 =	simm.s32 @p2 $0x1  }
0x17: {  	s4 =	simm.s32 $0x1BF5;
	[smem:$0x3FB7] =	sst s0  }
0x18: {  	s0 =	sld [smem:$0x3F9A];
	_ =	swait.ge [sflag:s4], $0x0  }
0x19: {  	s7 =	sld [smem:$0x3F9B]  }
0x1a: {  	s8 =	sadd.s32 $0xFFFFE003, lr  }
0x1b: {  	s9 =	sadd.s32 $0xFFFFFEF7, lr;
	s5 =	simm.s32 $0xFFFFFFFF;
	p2 =	slt.u32 s8, $0xFFFFF086  }
0x1c: {  	p1 =	slt.u32 s9, $0xF7A;
	s5 =	simm.s32 @!p2 $0x0  }
0x1d: {  	s5 =	simm.s32 @p1 $0x1;
	p0 =	seq.s32 s7, s2  }
0x1e: {  	s7 =	smul.u32 @!p0 $0xF7A, s2;
	p2 =	seq.s32 @!p0 s5, $0x0  }
0x1f: {  	s9 =	smul.u32 $0xF7A, s1;
	s8 =	simm.s32 @!p0 $0x1BF5;
	p2 =	por !p2, p0  }
0x20: {  	[sflag:s8] =	ssyncset.s32 @!p0 $0xFFFFF086;
	s6 =	sadd.s32 @!p0 s3, s7;
	s7 =	simm.s32 @!p0 $0x108  }
0x21: {  	s3 =	sadd.s32 s3, s9;
	s6 =	sadd.s32 @!p0 $0x88, s6;
	s7 =	simm.s32 @p2 $0x1082  }
0x22: {  	[simem:s7], [sflag:s8] =	dma.local @!p0 [hbm:s6], $0xF7A  }
0x23: {  	s9 =	sor.u32 $0xD0000000, s2;
	s6 =	simm.s32 $0x108;
	_ =	swait.ge @!p0 [sflag:s8], $0x0  }
0x24: {  	s3 =	sadd.s32 $0x88, s3;
	s6 =	simm.s32 @!p1 $0x1082;
	[sflag:s4] =	ssyncset.s32 $0xFFFFF086  }
0x25: {  	[simem:s6], [sflag:s4] =	dma.local [hbm:s3], $0xF7A  }
0x26: {  	[smem:$0x3F9B] =	sst s1;
	(tag) =	ssettag s2;
	_ =	strace s9  }
0x27: {  	s1 =	sld [smem:$0x3FAB]  }
0x28: {  	s2 =	sld [smem:$0x3FAC]  }
0x29: {  	s4 =	sld [smem:$0x3FAE]  }
0x2a: {  	p0 =	seq.s32 s5, $0x0;
	s5 =	sld [smem:$0x3FAF]  }
0x2b: {  	s6 =	sld [smem:$0x3FB0]  }
0x2c: {  	s7 =	sld [smem:$0x3FB1]  }
0x2d: {  	s3 =	simm.s32 $0x108;
	s8 =	sld [smem:$0x3FB2]  }
0x2e: {  	s3 =	simm.s32 @!p0 $0x1082;
	s9 =	sld [smem:$0x3FB3]  }
0x2f: {  	lr =	sadd.s32 s0, s3;
	s0 =	sld [smem:$0x3FAA]  }
0x30: {  	s3 =	sld [smem:$0x3FAD]  }
0x31: {  	[smem:$0x3FB6] =	sst s10  }
0x32: {  	s10 =	sld [smem:$0x3FB4];
	_ =	sdelay $0x3  }
0x33: {  	p0 =	seq.s32 s10, $0x1;
	s10 =	sld [smem:$0x3FB6];
	_ =	sdelay $0x3  }
0x34: {  	[smem:$0x3FB6] =	sst s10  }
0x35: {  	s10 =	sld [smem:$0x3FB5];
	_ =	sdelay $0x3  }
0x36: {  	p1 =	seq.s32 s10, $0x1;
	s10 =	sld [smem:$0x3FB6];
	_ =	sdelay $0x3  }
0x37: {  	[smem:$0x3FB6] =	sst s10  }
0x38: {  	s10 =	sld [smem:$0x3FB7]  }
0x39: {  	_ = 	snop;
	(pc) =	sbr.ind lr, $3  }
0x3a: {  	_ = 	snop  }
0x3b: {  	_ = 	snop  }
0x3c: {  	p2 =	seq.s32 s10, $0x1;
	s10 =	sld [smem:$0x3FB6]  }
0x3d: {  	_ =	shalt  }
0x3e: {  	_ =	shalt  }
0x3f: {  	_ =	shalt  }
0x40: {  	_ =	shalt  }
0x41: {  	_ =	shalt  }
0x42: {  	_ =	shalt  }
0x43: {  	_ =	shalt  }
0x44: {  	_ =	shalt  }
0x45: {  	_ =	shalt  }
0x46: {  	_ =	shalt  }
0x47: {  	_ =	shalt  }
0x48: {  	_ =	shalt  }
0x49: {  	_ =	shalt  }
0x4a: {  	_ =	shalt  }
0x4b: {  	_ =	shalt  }
0x4c: {  	_ =	shalt  }
0x4d: {  	_ =	shalt  }
0x4e: {  	_ =	shalt  }
0x4f: {  	_ =	shalt  }
0x50: {  	_ =	shalt  }
0x51: {  	_ =	shalt  }
0x52: {  	_ =	shalt  }
0x53: {  	_ =	shalt  }
0x54: {  	_ =	shalt  }
0x55: {  	_ =	shalt  }
0x56: {  	_ =	shalt  }
0x57: {  	_ =	shalt  }
0x58: {  	_ =	shalt  }
0x59: {  	_ =	shalt  }
0x5a: {  	_ =	shalt  }
0x5b: {  	_ =	shalt  }
0x5c: {  	_ =	shalt  }
0x5d: {  	_ =	shalt  }
0x5e: {  	_ =	shalt  }
0x5f: {  	_ =	shalt  }
0x60: {  	_ =	shalt  }
0x61: {  	_ =	shalt  }
0x62: {  	_ =	shalt  }
0x63: {  	_ =	shalt  }
0x64: {  	_ =	shalt  }
0x65: {  	_ =	shalt  }
0x66: {  	_ =	shalt  }
0x67: {  	_ =	shalt  }
0x68: {  	_ =	shalt  }
0x69: {  	_ =	shalt  }
0x6a: {  	_ =	shalt  }
0x6b: {  	_ =	shalt  }
0x6c: {  	_ =	shalt  }
0x6d: {  	_ =	shalt  }
0x6e: {  	_ =	shalt  }
0x6f: {  	_ =	shalt  }
0x70: {  	_ =	shalt  }
0x71: {  	_ =	shalt  }
0x72: {  	_ =	shalt  }
0x73: {  	_ =	shalt  }
0x74: {  	_ =	shalt  }
0x75: {  	_ =	shalt  }
0x76: {  	_ =	shalt  }
0x77: {  	_ =	shalt  }
0x78: {  	_ =	shalt  }
0x79: {  	_ =	shalt  }
0x7a: {  	_ =	shalt  }
0x7b: {  	_ =	shalt  }
0x7c: {  	_ =	shalt  }
0x7d: {  	_ =	shalt  }
0x7e: {  	_ =	shalt  }
0x7f: {  	_ =	shalt  }
0x80: {  	_ =	shalt  }
0x81: {  	_ =	shalt  }
0x82: {  	_ =	shalt  }
0x83: {  	_ =	shalt  }
0x84: {  	_ =	shalt  }
0x85: {  	_ =	shalt  }
0x86: {  	_ =	shalt  }
0x87: {  	_ =	shalt  }
.Lfunc_end0:
.L_simem_size_0:
called_computation_lowered:
.L_overlay_start_0:
0x88: {  	s2 =	sld [smem:$0x3FD9]  }
0x89: {  	s3 =	sld [smem:$0x3FFE];
	_ =	sdelay $0x1  }
0x8a: {  	s1 =	srdreg.scid  }
0x8b: {  	s0 =	sand.u32 $0x1, s1  }
0x8c: {  	s14 =	sshll.u32 s0, $0xA;
	s2 =	sadd.s32 s3, s2  }
0x8d: {  	s2 =	sadd.s32 s2, s14  }
0x8e: {  	[smem:$0x3FC2] =	sst s2  }
0x8f: {  	_ = 	snop  }
0x90: {  	s2 =	sld [smem:$0x3FD0];
	_ =	sdelay $0x1  }
0x91: {  	s15 =	sld [smem:$0x3FC7]  }
0x92: {  	s5 =	simm.s32 $0xA;
	s6 =	simm.s32 $0x10;
	s4 =	sld [smem:$0x3FC6]  }
0x93: {  	[smem:s6], [sflag:s5] =	dma.local [hbm:s2], $0x1  }
0x94: {  	_ =	swait.eq [sflag:s5], $0x1  }
0x95: {  	[sflag:s5] =	ssyncset.done $0x0  }
0x96: {  	s16 =	sld [smem:$0x10];
	[sflag:s5] =	ssyncadd.s32 $0xFFFFFFFF  }
0x97: {  	s17 =	sld [smem:$0x11];
	(tm) =	ssettm $0x1  }
0x98: {  	s18 =	sld [smem:$0x3FFB];
	_ =	sdelay $0x3  }
0x99: {  	_ =	strace s18  }
0x9a: {  	s6 =	sld [smem:$0x3FFC];
	_ =	sdelay $0x3  }
0x9b: {  	_ =	strace s6  }
0x9c: {  	s6 =	sld [smem:$0x3FFD];
	_ =	sdelay $0x3  }
0x9d: {  	_ =	strace s6  }
0x9e: {  	_ =	strace $0x8FFFFFFF  }
0x9f: {  	s19 =	sld [smem:$0x3FDB];
	_ =	sdelay $0x1  }
0xa0: {  	s7 =	simm.s32 $_scs_section_size  }
0xa1: {  	s8 =	simm.s32 $_size__tile_overlayer_lowered;
	s9 =	simm.s32 $_tile_overlayer_lowered  }
0xa2: {  	s22 =	simm.s32 $0x1BFF;
	s21 =	sshll.u32 s9, $0x1;
	s6 =	sadd.s32 s7, s19  }
0xa3: {  	s10 =	simm.s32 $0x0;
	s20 =	sshll.u32 s8, $0x1;
	s8 =	sadd.s32 s21, s6  }
0xa4: {  	[timem:s10], [sflag:s22] =	dma.local [hbm:s8], s20  }
0xa5: {  	_ =	swait.ge [sflag:s22], s20  }
0xa6: {  	s7 =	ssub.s32 $0x0, s20;
	[sflag:s22] =	ssyncset.done $0x0  }
0xa7: {  	[sflag:s22] =	ssyncadd.s32 s7;
	_ =	sdelay $0x1  }
0xa8: {  	s23 =	simm.s32 $0x1B8B  }
0xa9: {  	_ =	swait.ge [sflag:s23], $0x1  }
0xaa: {  	[sflag:s23] =	ssyncset.done $0x0  }
0xab: {  	s25 =	simm.s32 $0x1B8E;
	s24 =	sld [smem:$0x3FFE];
	[sflag:s23] =	ssyncadd.s32 $0xFFFFFFFF  }
0xac: {  	s26 =	simm.s32 $execute0_lowered;
	[smem:$0x3FD2] =	sst s25  }
0xad: {  	s8 =	sshll.u32 s26, $0x1;
	_ =	strace $0x80000046;
	[dreg:$0x1] =	wrdreg $0xFFFFFFFF  }
0xae: {  	s28 =	simm.s32 $_size_execute0_lowered;
	s6 =	sadd.s32 s6, s8;
	[dreg:$0x0] =	wrdreg $0x0  }
0xaf: {  	s8 =	sshll.u32 s28, $0x1;
	[dreg:$0x2] =	wrdreg s6  }
0xb0: {  	[dreg:$0x3] =	wrdreg s8  }
0xb1: {  	[dreg:$0x4] =	wrdreg $0xC0  }
0xb2: {  	_ =	task [dreg:s10], $0x5FFFF  }
0xb3: {  	[dreg:$0x1] =	wrdreg $0xFFFFFFFF  }
0xb4: {  	[dreg:$0x0] =	wrdreg $0x60  }
0xb5: {  	[dreg:$0x2] =	wrdreg s16  }
0xb6: {  	[dreg:$0x3] =	wrdreg s15  }
0xb7: {  	[dreg:$0x4] =	wrdreg s4  }
0xb8: {  	[dreg:$0x5] =	wrdreg s17  }
0xb9: {  	[dreg:$0x6] =	wrdreg s24  }
0xba: {  	[dreg:$0x7] =	wrdreg $0x9  }
0xbb: {  	_ =	task.clear_ibuf [dreg:s10], $0x8FFFF;
	_ =	strace $0x90000046  }
0xbc: {  	s29 =	simm.s32 $0x9;
	_ =	strace $0x8000004E  }
0xbd: {  	_ =	swait.ge [sflag:s29], $0x1  }
0xbe: {  	[sflag:s29] =	ssyncadd.s32 $0xFFFFFFFF  }
0xbf: {  	_ =	strace $0x9000004E  }
0xc0: {  	_ =	sfence  }
0xc1: {  	s30 =	sld [smem:$0x0];
	_ =	sdelay $0x2  }
0xc2: {  	s31 =	sshll.u32 s1, $0xD;
	s1 =	sshrl.u32 s1, $0x2  }
0xc3: {  	s3 =	sand.u32 $0x4000, s31;
	s1 =	sadd.s32 s1, s30  }
0xc4: {  	s0 =	sor.u32 s3, s0;
	s1 =	sshll.u32 s1, $0x11  }
0xc5: {  	s0 =	sor.u32 s1, s0  }
0xc6: {  	s0 =	sadd.s32 $0x8F2B, s0  }
0xc7: {  	[sflag:s0] =	ssyncadd.remote.s32 $0x1  }
0xc8: {  	_ =	sfence.sel $0xFFFF  }
0xc9: {  	[dreg:$0x0] =	wrdreg $0xFFFFFFFF;
	(pc) =	sbr.abs _section_cstart, $3  }
0xca: {  	[dreg:$0x1] =	wrdreg $0xFFFFFFFF  }
0xcb: {  	_ =	task.clear_ibuf [dreg:s10], $0x2FFFF;
	_ =	strace $0x9FFFFFFF  }
0xcc: {  	(tm) =	ssettm $0x7FFFFFFF  }
0xcd: {  	_ =	shalt  }
tec
execute0_lowered:
.L_overlay_start_1:
0x0: {  	(tag) =	ssettag $0x1  }
0x1: {  	s1 =	rddreg [dreg:$0x1]  }
0x2: {  	s2 =	rddreg [dreg:$0x2]  }
0x3: {  	s0 =	srdreg.scid;
	s3 =	rddreg [dreg:$0x4]  }
0x4: {  	s10 =	stileid.u32;
	s6 =	simm.s32 $0x0;
	s15 =	simm.s32 $0x1  }
0x5: {  	s16 =	simm.s32 $0x18700;
	s17 =	simm.s32 $0x18780;
	s20 =	simm.s32 $0x18800  }
0x6: {  	s21 =	simm.s32 $0x80;
	s22 =	simm.s32 $0x400;
	s0 =	sand.u32 $0x1, s0  }
0x7: {  	s23 =	simm.s32 $0x0;
	[smem:$0x7FF] =	sst s6;
	s4 =	sshll.u32 s0, $0x4  }
0x8: {  	s7 =	sadd.s32 $0x400, s3;
	s31 =	sshll.u32 s10, $0x5;
	s5 =	sor.u32 s10, s4  }
0x9: {  	s0 =	ssub.s32 $0x2, s0;
	_ =	strace $0x80000047;
	s8 =	smul.u32 $0x1F, s5  }
0xa: {  	s9 =	sshrl.u32 s0, $0x1;
	s3 =	sadd.s32 s4, s3;
	s10 =	sshll.u32 s10, $0x8  }
0xb: {  	p0 =	slt.u32 s5, $0x8;
	s5 =	sshll.u32 s5, $0x5;
	s8 =	sadd.s32 $0x8, s8  }
0xc: {  	s0 =	ssub.s32 s0, s9;
	s9 =	simm.s32 $0x20;
	s8 =	smov.u32 @p0 s5  }
0xd: {  	s12 =	sand.u32 $0xC00, s10;
	s5 =	sand.u32 $0x60, s31;
	s30 =	smul.u32 $0x320, s8  }
0xe: {  	s9 =	simm.s32 @!p0 $0x1F;
	s11 =	smul.u32 $0x190, s8;
	s3 =	sadd.s32 s5, s3  }
0xf: {  	s14 =	smax.u32 s0, $0x1;
	s3 =	sadd.s32 s12, s3;
	s12 =	sadd.s32 $0xFFFFFFFF, s9  }
0x10: {  	v0 =	vimm.f32 $0.0e+00;
	s10 =	sadd.s32 s1, s30;
	s11 =	sadd.s32 s2, s11;
	s13 =	sadd.s32 $0x600, s3  }
.LBB2_1:
0x11: {  	s0 =	rddreg [dreg:$0x0]  }
0x12: {  	[tilespmem:s6], [sflag:$0x1] =	stream.linear.gather [hbm4b:s0+s6], $0x18700, $0x38;
	[tilespmem:$0x1D700] =	vst v63  }
0x13: {  	_ =	swait.ge [sflag:s15], $0x18700  }
0x14: {  	[sflag:s15] =	ssyncset.done $0x0  }
0x15: {  	[sflag:s15] =	ssyncadd.s32 $0xFFFE7900  }
0x16: {  	s31 =	rddreg [dreg:$0x3]  }
0x17: {  	[tilespmem:s16], [sflag:$0x1] =	stream.linear.gather [hbm4b:s31+s6], $0x80, $0x38;
	[tilespmem:$0x1D700] =	vst v63  }
0x18: {  	_ =	swait.ge [sflag:s15], $0x80  }
0x19: {  	[sflag:s15] =	ssyncset.done $0x0  }
0x1a: {  	[sflag:s15] =	ssyncadd.s32 $0xFFFFFF80  }
0x1b: {  	[tilespmem:s17], [sflag:$0x1] =	stream.linear.gather [hbm4b:s7+s6], $0x80, $0x38;
	[tilespmem:$0x1D700] =	vst v63  }
0x1c: {  	_ =	swait.ge [sflag:s15], $0x80  }
0x1d: {  	[sflag:s15] =	ssyncset.done $0x0  }
0x1e: {  	s3 =	simm.s32 $0x0;
	s0 =	simm.s32 $0x40;
	[sflag:s15] =	ssyncadd.s32 $0xFFFFFF80  }
.LBB2_2:
0x1f: {  	p0 =	sne.s32 s0, $0xFC0;
	[tilespmem:s3+$0x18800] =	vst v0;
	s3 =	smov.u32 s0;
	s0 =	sadd.s32 $0x40, s0  }
.Ltmp0:
0x20: {  	(pc) =	sbr.rel @p0 .LBB2_2-.Ltmp0, $2  }
0x21: {  	_ =	sdelay $0x2  }
0x22: {  	s3 =	sshra.s32 s3, $0x2  }
0x23: {  	[tilespmem:s3+$0x18800] =	vst v0;
	s31 =	simm.s32 $0x0  }
0x24: {  	s0 =	simm.s32 $0x18C00;
	s30 =	simm.s32 $0x1BE00;
	_ =	strace $0x80000048  }
0x25: {  	[tilespmem:s0], [sflag:$0x1] =	stream.linear.gather [hbm4b:s10+s31], $0x1900, $0x200038;
	[tilespmem:$0x1D700] =	vst v63  }
0x26: {  	s24 =	simm.s32 $0x1;
	s25 =	simm.s32 $0x0;
	s26 =	simm.s32 $0x1  }
0x27: {  	[tilespmem:s30], [sflag:$0x3] =	stream.linear.gather [hbm4b:s11+s31], $0xC80, $0x200038;
	[tilespmem:$0x1D700] =	vst v63  }
0x28: {  	s28 =	simm.s32 $0x0;
	s29 =	simm.s32 $0x0;
	_ =	strace $0x90000048  }
.LBB2_4:
0x29: {  	s30 =	sadd.s32 $0x1, s31  }
0x2a: {  	p0 =	seq.s32 s30, s9  }
0x2b: {  	s30 =	simm.s32 @p0 $0x0;
	p0 =	sge.s32 s29, s12  }
0x2c: {  	p1 =	seq.s32 @!p0 s31, s30  }
0x2d: {  	p2 =	por p1, p0  }
0x2e: {  	s3 =	sand.u32 @!p2 $0x1, s24  }
0x2f: {  	s4 =	sadd.s32 @!p2 s8, s30;
	s5 =	smul.u32 @!p2 $0x6400, s3  }
0x30: {  	s18 =	smul.u32 @!p2 $0x1900, s4  }
0x31: {  	_ =	strace @!p2 $0x80000049  }
0x32: {  	s19 =	simm.s32 @!p2 $0x0;
	s5 =	sshrl.u32 @!p2 s5, $0x2;
	s18 =	sshrl.u32 @!p2 s18, $0x3  }
0x33: {  	s3 =	sadd.s32 @!p2 $0x1, s3;
	s5 =	sadd.s32 @!p2 $0x18C00, s5;
	s18 =	sadd.s32 @!p2 s1, s18  }
0x34: {  	[tilespmem:s5], [sflag:s3] =	stream.linear.gather @!p2 [hbm4b:s18+s19], $0x1900, $0x200038;
	[tilespmem:$0x1D700] =	vst v63  }
0x35: {  	s4 =	smul.u32 @!p2 $0xC80, s4;
	s3 =	sand.u32 @!p2 $0x1, s26  }
0x36: {  	s5 =	smul.u32 @!p2 $0x3200, s3  }
0x37: {  	s4 =	sshrl.u32 @!p2 s4, $0x3  }
0x38: {  	s4 =	sadd.s32 @!p2 s2, s4;
	_ =	strace @!p2 $0x90000049;
	s5 =	sshrl.u32 @!p2 s5, $0x2  }
0x39: {  	s3 =	sadd.s32 @!p2 $0x3, s3;
	_ =	strace @!p2 $0x8000004A;
	s5 =	sadd.s32 @!p2 $0x1BE00, s5  }
0x3a: {  	[tilespmem:s5], [sflag:s3] =	stream.linear.gather @!p2 [hbm4b:s4+s19], $0xC80, $0x200038;
	[tilespmem:$0x1D700] =	vst v63  }
0x3b: {  	s3 =	sand.u32 $0x1, s28;
	_ =	strace @!p2 $0x9000004A  }
0x3c: {  	s5 =	sadd.s32 $0x1, s3;
	_ =	strace $0x8000004B  }
0x3d: {  	_ =	swait.ge [sflag:s5], $0x1900  }
0x3e: {  	[sflag:s5] =	ssyncset.done $0x0  }
0x3f: {  	[sflag:s5] =	ssyncadd.s32 $0xFFFFE700  }
0x40: {  	s18 =	sand.u32 $0x1, s25;
	_ =	strace $0x9000004B  }
0x41: {  	s19 =	sadd.s32 $0x3, s18;
	_ =	strace $0x8000004C  }
0x42: {  	_ =	swait.ge [sflag:s19], $0xC80  }
0x43: {  	[sflag:s19] =	ssyncset.done $0x0  }
0x44: {  	[sflag:s19] =	ssyncadd.s32 $0xFFFFF380  }
0x45: {  	p3 =	seq.s32 s3, $0x1;
	s5 =	simm.s32 $0x1A580;
	_ =	strace $0x9000004C  }
0x46: {  	s5 =	simm.s32 @!p3 $0x18C80;
	_ =	strace $0x8000004D  }
0x47: {  	v1 =	vld [tilespmem:s5+$0xFFFFFFF0]  }
0x48: {  	v2 =	vld [tilespmem:s5+$0x70]  }
0x49: {  	v3 =	vld [tilespmem:s5+$0xFFFFFF90]  }
0x4a: {  	s3 =	simm.s32 $0x1CAC0;
	p3 =	seq.s32 s18, $0x1;
	v4 =	vld [tilespmem:s5+$0xFFFFFFA0]  }
0x4b: {  	s3 =	simm.s32 @!p3 $0x1BE40;
	v5 =	vld [tilespmem:s5+$0xFFFFFFB0]  }
0x4c: {  	v6 =	vld [tilespmem:s3+$0x30]  }
0x4d: {  	v13 =	vld [tilespmem:s3+$0xFFFFFFC0]  }
0x4e: {  	v12 =	vld [tilespmem:s3+$0xFFFFFFD0]  }
0x4f: {  	v7 =	vld [tilespmem:s3+$0xFFFFFFE0]  }
0x50: {  	v11 =	vld [tilespmem:s3+$0xFFFFFFF0]  }
0x51: {  	v10 =	vld [tilespmem:s3+$0x0]  }
0x52: {  	v9 =	vld [tilespmem:s3+$0x10]  }
0x53: {  	v8 =	vld [tilespmem:s3+$0x20]  }
0x54: {  	v14 =	vld.idx.msk [tilespmem:v1+s6+$0x0], $0xffff  }
0x55: {  	v2 =	vld.idx.msk [tilespmem:v2+s6+$0x0], $0xffff  }
0x56: {  	v16 =	vld [tilespmem:s5+$0xFFFFFFC0]  }
0x57: {  	v18 =	vld [tilespmem:s5+$0xFFFFFFD0];
	v15 =	vcvt.s32.f32 v3;
	v17 =	vcvt.s32.f32 v4  }
0x58: {  	v23 =	vld [tilespmem:s5+$0xFFFFFF80];
	v19 =	vcvt.s32.f32 v5;
	v21 =	vmul.f32 $1.923076960e-01, v13  }
0x59: {  	v20 =	vld [tilespmem:s5+$0xFFFFFFE0];
	v24 =	vmul.f32 $1.923076960e-01, v12;
	v28 =	vmul.f32 $1.923076960e-01, v7;
	v14 =	vshll.u32 v14, $0x2  }
0x5a: {  	v30 =	vmul.f32 $1.923076960e-01, v11;
	v2 =	vadd.s32 v2, v14;
	v14 =	vmul.f32 $1.923076960e-01, v6  }
0x5b: {  	v29 =	vld [tilespmem:s5+$0x10];
	v32 =	vmul.f32 $1.923076960e-01, v10;
	v34 =	vmul.f32 $1.923076960e-01, v9  }
0x5c: {  	v25 =	vld [tilespmem:s5+$0x0];
	v37 =	vmul.f32 $1.923076960e-01, v8;
	v22 =	vmul.f32 v14, v14  }
0x5d: {  	v33 =	vld [tilespmem:s5+$0x30];
	v43 =	vcvt.s32.f32 v16;
	v44 =	vcvt.s32.f32 v18  }
0x5e: {  	v35 =	vld [tilespmem:s5+$0x40];
	v45 =	vcvt.s32.f32 v20;
	v15 =	vmul.f32 $1.000000070e-02, v15;
	v22 =	vsub.f32 $1.000000000e+00, v22  }
0x5f: {  	v40 =	vld [tilespmem:s5+$0x50];
	v17 =	vmul.f32 $1.000000070e-02, v17;
	v19 =	vmul.f32 $1.000000070e-02, v19  }
0x60: {  	v26 =	vmul.f32 v21, v21;
	v42 =	vld.idx.msk [tilespmem:v23+s6+$0x0], $0xffff;
	(erf) = vrcp.f32 v22  }
0x61: {  	vm0 =	vlt.f32 v21, $1.000000000e+00;
	v21 =	vmul.f32 v24, v24;
	v31 =	vmul.f32 v28, v28;
	v3 =	vld.idx.msk [tilespmem:v3+s6+$0x0], $0xffff  }
0x62: {  	vm1 =	vlt.f32 v24, $1.000000000e+00;
	v63 =	vmul.f32 v30, v30;
	v36 =	vmul.f32 v32, v32;
	v4 =	vld.idx.msk [tilespmem:v4+s6+$0x0], $0xffff  }
0x63: {  	vm2 =	vlt.f32 v28, $1.000000000e+00;
	v41 =	vmul.f32 v34, v34;
	v38 =	vmul.f32 v37, v37;
	v29 =	vld.idx.msk [tilespmem:v29+s6+$0x0], $0xffff  }
0x64: {  	vm3 =	vlt.f32 v30, $1.000000000e+00;
	vm4 =	vlt.f32 v32, $1.000000000e+00;
	vm5 =	vlt.f32 v34, $1.000000000e+00;
	v22 =	vld [tilespmem:s5+$0x20]  }
0x65: {  	v48 =	vmul.f32 $1.000000070e-02, v44;
	v30 =	vmul.f32 $1.000000070e-02, v45;
	v26 =	vsub.f32 $1.000000000e+00, v26;
	v27 =	vld.idx.msk [tilespmem:v2+s17+$0x0], $0xffff  }
0x66: {  	vm7 =	vlt.f32 v37, $1.000000000e+00;
	v23 =	vcvt.s32.f32 v23;
	v5 =	vld.idx.msk [tilespmem:v5+s6+$0x0], $0xffff;
	v1 =	vcvt.s32.f32 v1  }
0x67: {  	v16 =	vld.idx.msk [tilespmem:v16+s6+$0x0], $0xffff;
	v21 =	vsub.f32 $1.000000000e+00, v21;
	v31 =	vsub.f32 $1.000000000e+00, v31;
	(erf) = vrcp.f32 v26  }
0x68: {  	v18 =	vld.idx.msk [tilespmem:v18+s6+$0x0], $0xffff;
	vm4 =	vmmov vm4;
	v24 =	vsub.f32 $1.000000000e+00, v63;
	v36 =	vsub.f32 $1.000000000e+00, v36  }
0x69: {  	v15 =	vtrunc.f32 v15;
	v3 =	vshll.u32 v3, $0x2;
	(erf) = vrcp.f32 v21;
	v21 =	vld [tilespmem:s5+$0x60];
	v46 =	vpop (erf)  }
0x6a: {  	v25 =	vld.idx.msk [tilespmem:v25+s6+$0x0], $0xffff;
	v52 =	vadd.s32 v29, v3;
	v6 =	vmul.f32 v27, v6;
	v47 =	vsub.f32 $1.000000000e+00, v46  }
0x6b: {  	v20 =	vld.idx.msk [tilespmem:v20+s6+$0x0], $0xffff;
	v28 =	vsub.f32 $1.000000000e+00, v41;
	v17 =	vtrunc.f32 v17;
	(erf) = vrcp.f32 v31  }
0x6c: {  	v53 =	vtrunc.f32 v48;
	(erf) = vrcp.f32 v24;
	v22 =	vld.idx.msk [tilespmem:v22+s6+$0x0], $0xffff;
	v6 =	vadd.f32 v47, v6  }
0x6d: {  	v33 =	vld.idx.msk [tilespmem:v33+s6+$0x0], $0xffff;
	v38 =	vsub.f32 $1.000000000e+00, v38;
	v23 =	vmul.f32 $1.000000070e-02, v23;
	(erf) = vrcp.f32 v36  }
0x6e: {  	v35 =	vld.idx.msk [tilespmem:v35+s6+$0x0], $0xffff;
	v31 =	vshll.u32 v42, $0x2;
	(erf) = vrcp.f32 v28;
	v6 =	vmul.f32 $1.442695020e+00, v6  }
0x6f: {  	v30 =	vtrunc.f32 v30;
	v57 =	vld.idx.msk [tilespmem:v52+s17+$0x0], $0xffff;
	v25 =	vadd.s32 v25, v31;
	(erf) = vrcp.f32 v38  }
0x70: {  	v23 =	vtrunc.f32 v23;
	v4 =	vshll.u32 v4, $0x2;
	v49 =	vpop (erf);
	(erf) = vpow2.f32 v6;
	v6 =	vld.idx.msk [tilespmem:v40+s6+$0x0], $0xffff  }
0x71: {  	v20 =	vshll.u32 v20, $0x2;
	v3 =	vtrunc.f32 v19;
	v19 =	vld.idx.msk [tilespmem:v21+s6+$0x0], $0xffff;
	v21 =	vadd.s32 v22, v4  }
0x72: {  	vm6 =	vlt.f32 v14, $1.000000000e+00;
	v54 =	vld.idx.msk [tilespmem:v2+s16+$0x0], $0xffff;
	v2 =	vshll.u32 v16, $0x2;
	v4 =	vshll.u32 v5, $0x2  }
0x73: {  	v24 =	vmul.f32 $1.000000070e-02, v43;
	v5 =	vmul.f32 $1.000000070e-02, v1;
	v16 =	vadd.s32 v33, v4  }
0x74: {  	v50 =	vpop (erf);
	v1 =	vcvt.f32.s32 v23;
	v23 =	vadd.s32 v35, v2;
	v4 =	vshll.u32 v18, $0x2;
	v18 =	vld.idx.msk [tilespmem:v25+s17+$0x0], $0xffff  }
0x75: {  	v12 =	vmul.f32 v57, v12;
	v32 =	vsub.f32 $1.000000000e+00, v50;
	v51 =	vpop (erf);
	v56 =	vadd.s32 v6, v4  }
0x76: {  	v22 =	vtrunc.f32 v24;
	v55 =	vpop (erf);
	v2 =	vcvt.f32.s32 v15;
	v19 =	vadd.s32 v19, v20;
	v15 =	vld.idx.msk [tilespmem:v21+s17+$0x0], $0xffff  }
0x77: {  	v27 =	vsub.f32 $1.000000000e+00, v49;
	v5 =	vtrunc.f32 v5;
	v6 =	vpop (erf);
	v4 =	vcvt.f32.s32 v17  }
0x78: {  	v12 =	vadd.f32 v32, v12;
	v17 =	vcvt.f32.s32 v5;
	v5 =	vcvt.f32.s32 v22;
	v22 =	vld.idx.msk [tilespmem:v16+s17+$0x0], $0xffff;
	v58 =	vpop (erf)  }
0x79: {  	v34 =	vsub.f32 $1.000000000e+00, v51;
	v20 =	vsub.f32 $1.000000000e+00, v55;
	v62 =	vld.idx.msk [tilespmem:v23+s17+$0x0], $0xffff;
	v13 =	vmul.f32 v18, v13;
	v60 =	vpop (erf)  }
0x7a: {  	v12 =	vmul.f32 $1.442695020e+00, v12;
	v59 =	vsub.f32 $1.000000000e+00, v6;
	v6 =	vcvt.f32.s32 v3;
	v61 =	vpop (erf);
	v63 =	vld.idx.msk [tilespmem:v56+s17+$0x0], $0xffff  }
0x7b: {  	v14 =	vld.idx.msk [tilespmem:v19+s17+$0x0], $0xffff;
	v13 =	vadd.f32 v27, v13;
	v15 =	vmul.f32 v15, v7;
	v18 =	vmul.f32 v61, v54  }
0x7c: {  	v3 =	vcvt.f32.s32 v53;
	v29 =	vsub.f32 $1.000000000e+00, v58;
	v7 =	vcvt.f32.s32 v30  }
0x7d: {  	v23 =	vld.idx.msk [tilespmem:v23+s16+$0x0], $0xffff;
	v15 =	vadd.f32 v34, v15;
	v11 =	vmul.f32 v22, v11;
	v18 =	vnsel vm6, $0x0, v18  }
0x7e: {  	v13 =	vmul.f32 $1.442695020e+00, v13;
	v36 =	vsub.f32 $1.000000000e+00, v60;
	[tilespmem:v17+s20+$0x0] =	vst.idx.add.f32.msk $0xffff, v18;
	v17 =	vmul.f32 v62, v10  }
0x7f: {  	v22 =	vmul.f32 $1.442695020e+00, v15;
	v15 =	vld.idx.msk [tilespmem:v16+s16+$0x0], $0xffff;
	v20 =	vadd.f32 v20, v11;
	v9 =	vmul.f32 v63, v9  }
0x80: {  	v8 =	vmul.f32 v14, v8;
	(erf) = vpow2.f32 v13;
	v16 =	vld.idx.msk [tilespmem:v56+s16+$0x0], $0xffff;
	v17 =	vadd.f32 v59, v17  }
0x81: {  	p1 =	por !p1, p0;
	s4 =	sadd.s32 @!p2 $0x1, s24;
	(erf) = vpow2.f32 v12;
	v11 =	vld.idx.msk [tilespmem:v21+s16+$0x0], $0xffff;
	v13 =	vmul.f32 $1.442695020e+00, v20;
	v9 =	vadd.f32 v29, v9  }
0x82: {  	s0 =	smov.u32 s24;
	s24 =	smov.u32 @p1 s4;
	s4 =	simm.s32 $0x0;
	v14 =	vadd.f32 v36, v8;
	v18 =	vld.idx.msk [tilespmem:v25+s16+$0x0], $0xffff;
	(erf) = vpow2.f32 v22;
	v12 =	vmul.f32 $1.442695020e+00, v17  }
0x83: {  	s4 =	simm.s32 @p1 $0x1;
	s24 =	smov.u32 @p0 s0;
	vm6 =	vmmov vm5;
	v10 =	vld.idx.msk [tilespmem:v52+s16+$0x0], $0xffff;
	(erf) = vpow2.f32 v13;
	v8 =	vmul.f32 $1.442695020e+00, v9  }
0x84: {  	s0 =	simm.s32 $0x0;
	s4 =	simm.s32 @p0 $0x0;
	s5 =	sadd.s32 $0x100, s5;
	vm5 =	vmmov vm7;
	v17 =	vld.idx.msk [tilespmem:v19+s16+$0x0], $0xffff;
	v9 =	vmul.f32 $1.442695020e+00, v14;
	(erf) = vpow2.f32 v12  }
.LBB2_5:
0x85: {  	v22 =	vld [tilespmem:s5+$0xFFFFFFF0];
	s0 =	sadd.s32 $0x80, s0;
	(erf) = vpow2.f32 v8  }
0x86: {  	v8 =	vld [tilespmem:s5+$0x70];
	p0 =	slt.u32 s0, $0xC00;
	(erf) = vpow2.f32 v9  }
0x87: {  	v25 =	vld [tilespmem:s5+$0xFFFFFF90]  }
0x88: {  	v26 =	vld [tilespmem:s5+$0xFFFFFFA0]  }
0x89: {  	s3 =	sadd.s32 $0x80, s3;
	v24 =	vld [tilespmem:s5+$0xFFFFFFB0];
	v9 =	vpop (erf)  }
0x8a: {  	v27 =	vld [tilespmem:s3+$0x30];
	v18 =	vmul.f32 v9, v18;
	v13 =	vpop (erf)  }
0x8b: {  	v9 =	vld [tilespmem:s3+$0xFFFFFFC0];
	v13 =	vmul.f32 v13, v10;
	v14 =	vpop (erf)  }
0x8c: {  	v10 =	vld [tilespmem:s3+$0xFFFFFFD0];
	v20 =	vcvt.s32.f32 v25;
	v19 =	vnsel vm0, $0x0, v18;
	v11 =	vmul.f32 v14, v11;
	v12 =	vpop (erf)  }
0x8d: {  	v14 =	vcvt.s32.f32 v26;
	v28 =	vld.idx.msk [tilespmem:v22+s6+$0x0], $0xffff;
	v18 =	vnsel vm1, $0x0, v13;
	v12 =	vmul.f32 v12, v15;
	v29 =	vpop (erf)  }
0x8e: {  	v30 =	vmul.f32 $1.000000070e-02, v20;
	v13 =	vcvt.s32.f32 v24;
	v31 =	vld.idx.msk [tilespmem:v8+s6+$0x0], $0xffff;
	v20 =	vnsel vm2, $0x0, v11;
	v32 =	vpop (erf)  }
0x8f: {  	v11 =	vld [tilespmem:s3+$0xFFFFFFE0];
	v33 =	vmul.f32 $1.000000070e-02, v14;
	v21 =	vmul.f32 $1.923076960e-01, v27;
	v8 =	vnsel vm3, $0x0, v12;
	v34 =	vpop (erf)  }
0x90: {  	v12 =	vmul.f32 $1.923076960e-01, v9;
	v15 =	vld [tilespmem:s3+$0xFFFFFFF0];
	v35 =	vmul.f32 $1.000000070e-02, v13  }
0x91: {  	v36 =	vmul.f32 $1.923076960e-01, v10;
	v13 =	vld [tilespmem:s3+$0x0];
	v37 =	vmul.f32 v21, v21  }
0x92: {  	v23 =	vmul.f32 v29, v23;
	v38 =	vmul.f32 v12, v12;
	vm0 =	vlt.f32 v12, $1.000000000e+00;
	v14 =	vld [tilespmem:s3+$0x10]  }
0x93: {  	v28 =	vshll.u32 v28, $0x2;
	v29 =	vmul.f32 v36, v36;
	v12 =	vld [tilespmem:s3+$0x20];
	v37 =	vsub.f32 $1.000000000e+00, v37  }
0x94: {  	v28 =	vadd.s32 v31, v28;
	v38 =	vsub.f32 $1.000000000e+00, v38;
	v39 =	vmul.f32 $1.923076960e-01, v11;
	v40 =	vld [tilespmem:s5+$0xFFFFFFC0]  }
0x95: {  	v29 =	vsub.f32 $1.000000000e+00, v29;
	v31 =	vmul.f32 $1.923076960e-01, v15;
	v41 =	vld [tilespmem:s5+$0xFFFFFFD0];
	(erf) = vrcp.f32 v37  }
0x96: {  	vm1 =	vlt.f32 v36, $1.000000000e+00;
	v36 =	vmul.f32 v39, v39;
	v37 =	vmul.f32 $1.923076960e-01, v13;
	v42 =	vld [tilespmem:s5+$0xFFFFFFE0]  }
0x97: {  	vm2 =	vlt.f32 v39, $1.000000000e+00;
	v43 =	vld [tilespmem:s5+$0xFFFFFF80];
	v39 =	vmul.f32 v31, v31;
	v44 =	vmul.f32 $1.923076960e-01, v14  }
0x98: {  	v45 =	vld [tilespmem:s5+$0x0];
	v36 =	vsub.f32 $1.000000000e+00, v36;
	v46 =	vmul.f32 v37, v37;
	v47 =	vmul.f32 $1.923076960e-01, v12  }
0x99: {  	v39 =	vsub.f32 $1.000000000e+00, v39;
	v48 =	vmul.f32 v44, v44;
	v49 =	vld.idx.msk [tilespmem:v28+s17+$0x0], $0xffff;
	(erf) = vrcp.f32 v38  }
0x9a: {  	v38 =	vld [tilespmem:s5+$0x10];
	v46 =	vsub.f32 $1.000000000e+00, v46;
	v50 =	vmul.f32 v47, v47;
	(erf) = vrcp.f32 v29  }
0x9b: {  	v51 =	vcvt.s32.f32 v40;
	v29 =	vld [tilespmem:s5+$0x20];
	v53 =	vsub.f32 $1.000000000e+00, v48;
	(erf) = vrcp.f32 v36  }
0x9c: {  	v36 =	vcvt.s32.f32 v43;
	v52 =	vld [tilespmem:s5+$0x30];
	v50 =	vsub.f32 $1.000000000e+00, v50;
	(erf) = vrcp.f32 v39  }
0x9d: {  	vm3 =	vlt.f32 v31, $1.000000000e+00;
	v39 =	vcvt.s32.f32 v41;
	v31 =	vld [tilespmem:s5+$0x40];
	(erf) = vrcp.f32 v46  }
0x9e: {  	vm7 =	vlt.f32 v37, $1.000000000e+00;
	v46 =	vcvt.s32.f32 v42;
	v37 =	vld [tilespmem:s5+$0x50];
	(erf) = vrcp.f32 v53;
	v48 =	vpop (erf)  }
0x9f: {  	v27 =	vmul.f32 v49, v27;
	v53 =	vld [tilespmem:s5+$0x60];
	v48 =	vsub.f32 $1.000000000e+00, v48;
	(erf) = vrcp.f32 v50  }
0xa0: {  	vm8 =	vlt.f32 v44, $1.000000000e+00;
	v49 =	vmul.f32 $1.000000070e-02, v51;
	v50 =	vmul.f32 $1.000000070e-02, v36;
	v43 =	vld.idx.msk [tilespmem:v43+s6+$0x0], $0xffff  }
0xa1: {  	v39 =	vmul.f32 $1.000000070e-02, v39;
	v44 =	vmul.f32 $1.000000070e-02, v46;
	v25 =	vld.idx.msk [tilespmem:v25+s6+$0x0], $0xffff;
	v27 =	vadd.f32 v48, v27  }
0xa2: {  	v16 =	vmul.f32 v32, v16;
	v17 =	vmul.f32 v34, v17;
	vm9 =	vlt.f32 v47, $1.000000000e+00;
	v26 =	vld.idx.msk [tilespmem:v26+s6+$0x0], $0xffff;
	v46 =	vpop (erf)  }
0xa3: {  	v34 =	vtrunc.f32 v50;
	v32 =	vsub.f32 $1.000000000e+00, v46;
	v24 =	vld.idx.msk [tilespmem:v24+s6+$0x0], $0xffff;
	v27 =	vmul.f32 $1.442695020e+00, v27;
	v36 =	vpop (erf)  }
0xa4: {  	v30 =	vtrunc.f32 v30;
	v33 =	vtrunc.f32 v33;
	v36 =	vsub.f32 $1.000000000e+00, v36;
	v40 =	vld.idx.msk [tilespmem:v40+s6+$0x0], $0xffff;
	v46 =	vpop (erf)  }
0xa5: {  	v35 =	vtrunc.f32 v35;
	v46 =	vsub.f32 $1.000000000e+00, v46;
	v41 =	vld.idx.msk [tilespmem:v41+s6+$0x0], $0xffff;
	v47 =	vpop (erf);
	(erf) = vpow2.f32 v27  }
0xa6: {  	v27 =	vshll.u32 v43, $0x2;
	v43 =	vsub.f32 $1.000000000e+00, v47;
	v47 =	vtrunc.f32 v49;
	v42 =	vld.idx.msk [tilespmem:v42+s6+$0x0], $0xffff;
	v48 =	vpop (erf)  }
0xa7: {  	v22 =	vcvt.s32.f32 v22;
	v25 =	vshll.u32 v25, $0x2;
	v45 =	vld.idx.msk [tilespmem:v45+s6+$0x0], $0xffff;
	v48 =	vsub.f32 $1.000000000e+00, v48;
	v49 =	vpop (erf)  }
0xa8: {  	v39 =	vtrunc.f32 v39;
	v26 =	vshll.u32 v26, $0x2;
	v38 =	vld.idx.msk [tilespmem:v38+s6+$0x0], $0xffff;
	v49 =	vsub.f32 $1.000000000e+00, v49;
	v50 =	vpop (erf)  }
0xa9: {  	v22 =	vmul.f32 $1.000000070e-02, v22;
	v24 =	vshll.u32 v24, $0x2;
	v50 =	vsub.f32 $1.000000000e+00, v50;
	v28 =	vld.idx.msk [tilespmem:v28+s16+$0x0], $0xffff  }
0xaa: {  	v44 =	vtrunc.f32 v44;
	v34 =	vcvt.f32.s32 v34;
	v40 =	vshll.u32 v40, $0x2;
	v29 =	vld.idx.msk [tilespmem:v29+s6+$0x0], $0xffff  }
0xab: {  	v30 =	vcvt.f32.s32 v30;
	v22 =	vtrunc.f32 v22;
	v41 =	vshll.u32 v41, $0x2;
	v51 =	vld.idx.msk [tilespmem:v52+s6+$0x0], $0xffff  }
0xac: {  	v33 =	vcvt.f32.s32 v33;
	v22 =	vcvt.f32.s32 v22;
	v42 =	vshll.u32 v42, $0x2;
	v31 =	vld.idx.msk [tilespmem:v31+s6+$0x0], $0xffff  }
0xad: {  	v35 =	vcvt.f32.s32 v35;
	v27 =	vadd.s32 v45, v27;
	v45 =	vcvt.f32.s32 v47;
	v37 =	vld.idx.msk [tilespmem:v37+s6+$0x0], $0xffff  }
0xae: {  	v44 =	vcvt.f32.s32 v44;
	v25 =	vadd.s32 v38, v25;
	v38 =	vcvt.f32.s32 v39;
	v39 =	vld.idx.msk [tilespmem:v53+s6+$0x0], $0xffff;
	v47 =	vpop (erf)  }
0xaf: {  	v28 =	vmul.f32 v47, v28;
	[tilespmem:v1+s20+$0x0] =	vst.idx.add.f32.msk $0xffff, v19;
	v19 =	vnsel vm4, $0x0, v23;
	v47 =	vnsel vm6, $0x0, v16;
	v1 =	vmovc v34  }
0xb0: {  	v16 =	vadd.s32 v29, v26;
	vm4 =	vlt.f32 v21, $1.000000000e+00;
	v21 =	vnsel vm5, $0x0, v17;
	[tilespmem:v2+s20+$0x0] =	vst.idx.add.f32.msk $0xffff, v18;
	v2 =	vmovc v30  }
0xb1: {  	v17 =	vadd.s32 v51, v24;
	v18 =	vnsel vm4, $0x0, v28;
	[tilespmem:v4+s20+$0x0] =	vst.idx.add.f32.msk $0xffff, v20;
	v4 =	vmovc v33;
	vm4 =	vmmov vm7  }
0xb2: {  	vm6 =	vmmov vm8;
	vm5 =	vmmov vm9;
	v20 =	vadd.s32 v31, v40;
	[tilespmem:v22+s20+$0x0] =	vst.idx.add.f32.msk $0xffff, v18  }
0xb3: {  	v22 =	vadd.s32 v37, v41;
	v18 =	vld.idx.msk [tilespmem:v27+s17+$0x0], $0xffff  }
0xb4: {  	v24 =	vadd.s32 v39, v42;
	v23 =	vld.idx.msk [tilespmem:v25+s17+$0x0], $0xffff  }
0xb5: {  	v26 =	vld.idx.msk [tilespmem:v16+s17+$0x0], $0xffff  }
0xb6: {  	v28 =	vld.idx.msk [tilespmem:v17+s17+$0x0], $0xffff  }
0xb7: {  	v29 =	vld.idx.msk [tilespmem:v20+s17+$0x0], $0xffff  }
0xb8: {  	v30 =	vld.idx.msk [tilespmem:v22+s17+$0x0], $0xffff  }
0xb9: {  	v9 =	vmul.f32 v18, v9;
	v31 =	vld.idx.msk [tilespmem:v24+s17+$0x0], $0xffff  }
0xba: {  	v23 =	vmul.f32 v23, v10;
	v18 =	vld.idx.msk [tilespmem:v27+s16+$0x0], $0xffff  }
0xbb: {  	v9 =	vadd.f32 v32, v9;
	v10 =	vld.idx.msk [tilespmem:v25+s16+$0x0], $0xffff;
	v25 =	vmul.f32 v26, v11  }
0xbc: {  	v23 =	vadd.f32 v36, v23;
	v11 =	vld.idx.msk [tilespmem:v16+s16+$0x0], $0xffff;
	v16 =	vmul.f32 v28, v15  }
0xbd: {  	v9 =	vmul.f32 $1.442695020e+00, v9;
	v13 =	vmul.f32 v29, v13;
	v25 =	vadd.f32 v46, v25;
	v15 =	vld.idx.msk [tilespmem:v17+s16+$0x0], $0xffff  }
0xbe: {  	v26 =	vmul.f32 $1.442695020e+00, v23;
	v14 =	vmul.f32 v30, v14;
	v17 =	vadd.f32 v43, v16;
	v23 =	vld.idx.msk [tilespmem:v20+s16+$0x0], $0xffff  }
0xbf: {  	v13 =	vadd.f32 v48, v13;
	v12 =	vmul.f32 v31, v12;
	v20 =	vmul.f32 $1.442695020e+00, v25;
	v16 =	vld.idx.msk [tilespmem:v22+s16+$0x0], $0xffff  }
.Ltmp1:
0xc0: {  	v14 =	vadd.f32 v49, v14;
	v22 =	vmul.f32 $1.442695020e+00, v17;
	v17 =	vld.idx.msk [tilespmem:v24+s16+$0x0], $0xffff;
	(erf) = vpow2.f32 v9;
	(pc) =	sbr.rel @p0 .LBB2_5-.Ltmp1, $4  }
0xc1: {  	v13 =	vmul.f32 $1.442695020e+00, v13;
	v9 =	vadd.f32 v50, v12;
	(erf) = vpow2.f32 v26;
	[tilespmem:v6+s20+$0x0] =	vst.idx.add.f32.msk $0xffff, v8;
	v6 =	vmovc v35  }
0xc2: {  	v8 =	vmul.f32 $1.442695020e+00, v14;
	(erf) = vpow2.f32 v20;
	[tilespmem:v5+s20+$0x0] =	vst.idx.add.f32.msk $0xffff, v19;
	v5 =	vmov v45  }
0xc3: {  	v9 =	vmul.f32 $1.442695020e+00, v9;
	(erf) = vpow2.f32 v22;
	[tilespmem:v3+s20+$0x0] =	vst.idx.add.f32.msk $0xffff, v47;
	v3 =	vmov v38  }
0xc4: {  	s5 =	sadd.s32 $0x100, s5;
	(erf) = vpow2.f32 v13;
	[tilespmem:v7+s20+$0x0] =	vst.idx.add.f32.msk $0xffff, v21;
	v7 =	vmov v44  }
0xc5: {  	(erf) = vpow2.f32 v8  }
0xc6: {  	(erf) = vpow2.f32 v9;
	_ =	sdelay $0x2  }
0xc7: {  	v56 =	vpop (erf)  }
0xc8: {  	v8 =	vmul.f32 v56, v18;
	v57 =	vpop (erf)  }
0xc9: {  	v9 =	vmul.f32 v57, v10;
	v58 =	vpop (erf)  }
0xca: {  	v8 =	vnsel vm0, $0x0, v8;
	v10 =	vmul.f32 v58, v11;
	v59 =	vpop (erf)  }
0xcb: {  	p0 =	sne.s32 s31, s30;
	p1 =	seq.s32 s29, s12;
	v9 =	vnsel vm1, $0x0, v9;
	v11 =	vmul.f32 v59, v15;
	v12 =	vpop (erf);
	[tilespmem:v1+s20+$0x0] =	vst.idx.add.f32.msk $0xffff, v8  }
0xcc: {  	s0 =	simm.s32 $0x1;
	s29 =	sadd.s32 $0x1, s29;
	p0 =	por p1, p0;
	v1 =	vnsel vm2, $0x0, v10;
	v60 =	vpop (erf);
	v61 =	vmul.f32 v12, v23;
	[tilespmem:v2+s20+$0x0] =	vst.idx.add.f32.msk $0xffff, v9  }
0xcd: {  	s0 =	simm.s32 @!p0 $0x0;
	p0 =	sne.s32 s29, s9;
	v2 =	vnsel vm3, $0x0, v11;
	v62 =	vpop (erf);
	v8 =	vmul.f32 v60, v16;
	[tilespmem:v4+s20+$0x0] =	vst.idx.add.f32.msk $0xffff, v1  }
.Ltmp2:
0xce: {  	v1 =	vmul.f32 v62, v17;
	v63 =	vnsel vm4, $0x0, v61;
	[tilespmem:v6+s20+$0x0] =	vst.idx.add.f32.msk $0xffff, v2;
	(pc) =	sbr.rel @p0 .LBB2_4-.Ltmp2, $4  }
0xcf: {  	v2 =	vnsel vm6, $0x0, v8;
	[tilespmem:v5+s20+$0x0] =	vst.idx.add.f32.msk $0xffff, v63  }
0xd0: {  	v1 =	vnsel vm5, $0x0, v1;
	[tilespmem:v3+s20+$0x0] =	vst.idx.add.f32.msk $0xffff, v2  }
0xd1: {  	s26 =	sadd.s32 s26, s4;
	s31 =	smov.u32 s30;
	[tilespmem:v7+s20+$0x0] =	vst.idx.add.f32.msk $0xffff, v1  }
0xd2: {  	s28 =	sadd.s32 s0, s28;
	s25 =	sadd.s32 s0, s25;
	_ =	strace $0x9000004D  }
0xd3: {  	s23 =	sadd.s32 $0x1, s23  }
0xd4: {  	p0 =	sne.s32 s23, s14  }
.Ltmp3:
0xd5: {  	_ = 	snop;
	(pc) =	sbr.rel @p0 .LBB2_1-.Ltmp3, $4  }
0xd6: {  	[hbm4b:s13+s21] =	stream.strided.scatter [tilespmem:s20], [sflag:$0x1], $0x400, s22, s21, $0x38;
	[tilespmem:$0x1D700] =	vst v63  }
0xd7: {  	_ =	swait.ge [sflag:s15], $0x400  }
0xd8: {  	[sflag:s15] =	ssyncset.done $0x0  }
0xd9: {  	[sflag:s15] =	ssyncadd.s32 $0xFFFFFC00  }
0xda: {  	_ =	sfence.sel $0x180000  }
0xdb: {  	[bflag:$0x0] =	sbarrier.arrive $0xFFFF  }
0xdc: {  	_ =	strace $0x90000047  }
0xdd: {  	s0 =	stileid.u32;
	[bflag:$0x2] =	sbarrier.arrive $0xFFFF  }
0xde: {  	p0 =	sne.s32 s0, $0x0;
	s0 =	rddreg [dreg:$0x5]  }
0xdf: {  	s0 =	sadd.s32 @!p0 $0x100000, s0  }
0xe0: {  	[sflag:s0] =	ssyncadd.tile.s32 @!p0 $0x1;
	_ =	shalt  }
.Lfunc_end2:
_tile_overlayer_lowered:
.L_overlay_start_2:
0xe1: {  	(tag) =	ssettag $0x2  }
0xe2: {  	s0 =	rddreg [dreg:$0x0];
	s2 =	stileid.u32  }
0xe3: {  	s1 =	rddreg [dreg:$0x1];
	p0 =	sne.s32 s2, $0x0  }
0xe4: {  	s3 =	rddreg [dreg:$0x2];
	[bflag:$0x3] =	sbarrier.arrive $0xFFFF;
	s2 =	simm.s32 @!p0 $0x1C01  }
0xe5: {  	[timem:s3], [sflag:s2] =	dma.local @!p0 [hbm:s0], s1  }
0xe6: {  	s0 =	simm.s32 @!p0 $0x1  }
0xe7: {  	_ =	swait.ge @!p0 [sflag:s0], s1  }
0xe8: {  	s1 =	ssub.s32 @!p0 $0x0, s1;
	[sflag:s0] =	ssyncset.done @!p0 $0x0  }
0xe9: {  	[sflag:s0] =	ssyncadd.s32 @!p0 s1  }
0xea: {  	[bflag:$0x3] =	sbarrier.arrive $0xFFFF  }
0xeb: {  	_ =	shalt  }

</sc_bundles>
